<compile_context>
chip_gen: v7x
topology: tpu7x:2x2x1
jax: 0.10.2.dev20260603
libtpu: 0.0.44.dev20260713+nightly
codegen_flags: <defaults>
</compile_context>

<pallas_src>
import functools

import jax
import jax.numpy as jnp
from jax import lax
from jax.experimental import pallas as pl
from jax.experimental.pallas import tpu as pltpu
from jax.experimental.pallas import tpu_sc as plsc

_N = 10000
_D = 128
_E = 320000
_NC, _NS = 2, 16
_NW = _NC * _NS
_K = 128
_CHUNKS = 79

_EPAD = _NW * _CHUNKS * _K
_T = _EPAD // _NW
_NPAD = 10240
_ROWS_PER_TILE = _NPAD // _NS
_CW = 16
_TS = 3
_EPS = 1e-8
_R = 1000


def _mesh():
    return plsc.VectorSubcoreMesh(
        core_axis_name="c", subcore_axis_name="s",
        num_cores=_NC, num_subcores=_NS)


@functools.partial(
    pl.kernel,
    out_type=jax.ShapeDtypeStruct((_NC, _NPAD, _D), jnp.float32),
    mesh=_mesh(),
    scratch_types=[
        pltpu.VMEM_SHARED((_NPAD, _D), jnp.float32),
        pltpu.VMEM((_K,), jnp.int32),
        pltpu.VMEM((_K,), jnp.int32),
        pltpu.VMEM((_K, _D), jnp.float32),
        pltpu.SemaphoreType.DMA,
    ],
)
def _sc_scatter(prop, srcr, dstr, zeros_hbm, out, acc, si_0, di_0, r0, sg0):
    c = lax.axis_index("c")
    s = lax.axis_index("s")
    base = (c * _NS + s) * _T
    nchunks = _CHUNKS

    def load_idx(jj):
        off = pl.multiple_of(base + jj * _K, 8)
        pltpu.sync_copy(srcr.at[pl.ds(off, _K)], si_0)
        pltpu.sync_copy(dstr.at[pl.ds(off, _K)], di_0)

    def gather():
        pltpu.async_copy(prop.at[si_0], r0, sg0).wait()

    def scatter():
        pltpu.sync_copy(r0, acc.at[di_0], add=True)

    pltpu.sync_copy(zeros_hbm, r0)
    for z in range(_ROWS_PER_TILE // _K):
        pltpu.sync_copy(r0, acc.at[pl.ds((s * (_ROWS_PER_TILE // _K) + z) * _K, _K)])
    plsc.subcore_barrier()

    def step(j, carry):
        load_idx(j)
        gather()
        scatter()
        return carry

    lax.fori_loop(0, nchunks, step, 0)

    plsc.subcore_barrier()
    pltpu.sync_copy(acc.at[pl.ds(s * _ROWS_PER_TILE, _ROWS_PER_TILE)],
                    out.at[c, pl.ds(s * _ROWS_PER_TILE, _ROWS_PER_TILE)])


@functools.partial(
    pl.kernel,
    out_type=jax.ShapeDtypeStruct((_NC, _NPAD, _D), jnp.float32),
    mesh=_mesh(),
    scratch_types=[
        pltpu.VMEM_SHARED((_NPAD, _D), jnp.float32),
        pltpu.VMEM((_K,), jnp.int32),
        pltpu.VMEM((_K, _D), jnp.float32),
        pltpu.VMEM((_K, _D), jnp.float32),
    ],
)
def _sc_count(dstr, col0_hbm, zeros_hbm, out, acc, didx, ones, zbuf):
    c = lax.axis_index("c")
    s = lax.axis_index("s")
    base = (c * _NS + s) * _T
    pltpu.sync_copy(zeros_hbm, zbuf)
    for z in range(_ROWS_PER_TILE // _K):
        pltpu.sync_copy(zbuf, acc.at[pl.ds((s * (_ROWS_PER_TILE // _K) + z) * _K, _K)])
    pltpu.sync_copy(col0_hbm, ones)
    plsc.subcore_barrier()

    def cstep(j, carry):
        off = pl.multiple_of(base + j * _K, 8)
        pltpu.sync_copy(dstr.at[pl.ds(off, _K)], didx)
        pltpu.sync_copy(ones, acc.at[didx], add=True)
        return carry

    lax.fori_loop(0, _CHUNKS, cstep, 0)

    plsc.subcore_barrier()
    pltpu.sync_copy(acc.at[pl.ds(s * _ROWS_PER_TILE, _ROWS_PER_TILE)],
                    out.at[c, pl.ds(s * _ROWS_PER_TILE, _ROWS_PER_TILE)])


def _prop_body(h_ref, wt_ref, b_ref, o_ref):
    o_ref[...] = (jnp.dot(h_ref[...], wt_ref[...],
                          preferred_element_type=jnp.float32) + b_ref[...])


def _prop_call(h, wt, b2):
    return pl.pallas_call(
        _prop_body,
        grid=(_N // _R,),
        in_specs=[
            pl.BlockSpec((_R, _D), lambda i: (i, 0)),
            pl.BlockSpec((_D, _D), lambda i: (0, 0)),
            pl.BlockSpec((1, _D), lambda i: (0, 0)),
        ],
        out_specs=pl.BlockSpec((_R, _D), lambda i: (i, 0)),
        out_shape=jax.ShapeDtypeStruct((_N, _D), jnp.float32),
    )(h, wt, b2)


def _gru_body(msg_ref, cnt_ref, h_ref, wih_ref, whh_ref, bih_ref, bhh_ref,
              wt_ref, b_ref, hn_ref, prop_ref):
    msum = msg_ref[0] + msg_ref[1]
    cnt = cnt_ref[0, :, :1] + cnt_ref[1, :, :1]
    div = jnp.where(cnt == 0.0, 1.0, cnt) + _EPS
    x = msum / div
    h = h_ref[...]
    gi = jnp.dot(x, wih_ref[...], preferred_element_type=jnp.float32) + bih_ref[...]
    gh = jnp.dot(h, whh_ref[...], preferred_element_type=jnp.float32) + bhh_ref[...]
    r = jax.nn.sigmoid(gi[:, :_D] + gh[:, :_D])
    z = jax.nn.sigmoid(gi[:, _D:2 * _D] + gh[:, _D:2 * _D])
    n = jnp.tanh(gi[:, 2 * _D:] + r * gh[:, 2 * _D:])
    hn = (1.0 - z) * n + z * h
    hn_ref[...] = hn
    prop_ref[...] = (jnp.dot(hn, wt_ref[...],
                             preferred_element_type=jnp.float32) + b_ref[...])


def _gru_call(msg2, cnt2, h, wih_t, whh_t, bih2, bhh2, wt, b2):
    return pl.pallas_call(
        _gru_body,
        grid=(_N // _R,),
        in_specs=[
            pl.BlockSpec((_NC, _R, _D), lambda i: (0, i, 0)),
            pl.BlockSpec((_NC, _R, _D), lambda i: (0, i, 0)),
            pl.BlockSpec((_R, _D), lambda i: (i, 0)),
            pl.BlockSpec((_D, 3 * _D), lambda i: (0, 0)),
            pl.BlockSpec((_D, 3 * _D), lambda i: (0, 0)),
            pl.BlockSpec((1, 3 * _D), lambda i: (0, 0)),
            pl.BlockSpec((1, 3 * _D), lambda i: (0, 0)),
            pl.BlockSpec((_D, _D), lambda i: (0, 0)),
            pl.BlockSpec((1, _D), lambda i: (0, 0)),
        ],
        out_specs=[
            pl.BlockSpec((_R, _D), lambda i: (i, 0)),
            pl.BlockSpec((_R, _D), lambda i: (i, 0)),
        ],
        out_shape=[
            jax.ShapeDtypeStruct((_N, _D), jnp.float32),
            jax.ShapeDtypeStruct((_N, _D), jnp.float32),
        ],
    )(msg2, cnt2, h, wih_t, whh_t, bih2, bhh2, wt, b2)


def kernel(node_states, edge_lists, pos_lists, W, b, W_ih, W_hh, b_ih, b_hh):
    h = node_states
    el = edge_lists[0]
    src = el[:, 0]
    dst = el[:, 1]
    pad = _EPAD - _E
    src_p = jnp.concatenate([src, jnp.zeros((pad,), jnp.int32)])
    dst_p = jnp.concatenate([dst, jnp.full((pad,), _N, jnp.int32)])
    zeros_hbm = jnp.zeros((_K, _D), jnp.float32)
    col0 = jnp.zeros((_K, _D), jnp.float32).at[:, 0].set(1.0)
    wt = W.T
    wih_t = W_ih.T
    whh_t = W_hh.T
    bih2 = b_ih.reshape(1, -1)
    bhh2 = b_hh.reshape(1, -1)
    b2 = b.reshape(1, -1)

    cnt2 = _sc_count(dst_p, col0, zeros_hbm)
    prop = _prop_call(h, wt, b2)
    for _ in range(_TS):
        msg2 = _sc_scatter(prop, src_p, dst_p, zeros_hbm)
        h, prop = _gru_call(msg2, cnt2, h, wih_t, whh_t, bih2, bhh2, wt, b2)
    return h

# --- scband reference (transcript-rebuilt; emitter-appended) ---
"""Pipeline reference for scband-ggnnmodel-4964982194948 (READ-ONLY COPY).

The authoritative reference and input builder live on the scoring server;
editing this copy changes nothing except your own understanding.
"""

import jax, jax.numpy as jnp
import numpy as np

N = 10000
E = 320000
D = 128
TIMESTEPS = 3
SMALL_NUMBER = 1e-08


def setup_inputs(seed: int = 0) -> dict:
    key = jax.random.key(seed)
    ks = jax.random.split(key, 9)
    node_states = jax.random.normal(ks[0], (N, D), dtype=jnp.float32)
    edge_lists = jax.random.randint(ks[1], (1, E, 2), 0, N, dtype=jnp.int32)
    pos_lists = jax.random.randint(ks[2], (1, E), 0, 512, dtype=jnp.int32)
    # MessagingLayer.transform: LinearNet(D, D * num_edge_types=1), xavier-uniform-ish
    limit = float(np.sqrt(6.0 / (D + D)))
    W = jax.random.uniform(ks[3], (D, D), dtype=jnp.float32, minval=-limit, maxval=limit)
    b = jnp.zeros((D,), dtype=jnp.float32)
    # GGNNLayer GRUCell params (torch layout: [3*H, in] with r,z,n gate order)
    s = 1.0 / np.sqrt(D)
    W_ih = jax.random.uniform(ks[4], (3 * D, D), dtype=jnp.float32, minval=-s, maxval=s)
    W_hh = jax.random.uniform(ks[5], (3 * D, D), dtype=jnp.float32, minval=-s, maxval=s)
    b_ih = jax.random.uniform(ks[6], (3 * D,), dtype=jnp.float32, minval=-s, maxval=s)
    b_hh = jax.random.uniform(ks[7], (3 * D,), dtype=jnp.float32, minval=-s, maxval=s)
    return {"node_states": node_states, "edge_lists": edge_lists, "pos_lists": pos_lists,
            "W": W, "b": b, "W_ih": W_ih, "W_hh": W_hh, "b_ih": b_ih, "b_hh": b_hh}


def _gru_cell(x, h, W_ih, W_hh, b_ih, b_hh):
    gi = x @ W_ih.T + b_ih
    gh = h @ W_hh.T + b_hh
    i_r, i_z, i_n = jnp.split(gi, 3, axis=1)
    h_r, h_z, h_n = jnp.split(gh, 3, axis=1)
    r = jax.nn.sigmoid(i_r + h_r)
    z = jax.nn.sigmoid(i_z + h_z)
    n = jnp.tanh(i_n + r * h_n)
    return (1.0 - z) * n + z * h


def reference(node_states, edge_lists, pos_lists, W, b, W_ih, W_hh, b_ih, b_hh):
    # GGNNProper forward: single layer, layer_timesteps=[3], one edge type,
    # no backward edges, mean aggregation, no position embeddings, eval mode (no dropout).
    h = node_states
    n_nodes = h.shape[0]
    edge_list = edge_lists[0]
    src = edge_list[:, 0]
    dst = edge_list[:, 1]
    for _ in range(TIMESTEPS):
        # MessagingLayer: propagated_states for edge type 0 == linear transform
        prop = h @ W.T + b
        messages_by_source = jnp.take(prop, src, axis=0)
        messages_by_targets = jnp.zeros_like(h).at[dst].add(messages_by_source)
        # mean aggregation
        bincount = jnp.zeros((n_nodes,), dtype=jnp.float32).at[dst].add(1.0)
        divisor = jnp.where(bincount == 0, 1.0, bincount)
        messages_by_targets = messages_by_targets / (divisor[:, None] + SMALL_NUMBER)
        # GGNNLayer: GRU update
        h = _gru_cell(messages_by_targets, h, W_ih, W_hh, b_ih, b_hh)
    return h

if __name__ == "__main__":
    import jax
    _d = setup_inputs()
    print(jax.jit(kernel)(*tuple(_d.values())))

</pallas_src>

<mosaic_0001>
#map = affine_map<(d0, d1) -> (0, 0)>
#map1 = affine_map<(d0, d1) -> (0)>
#map2 = affine_map<(d0, d1) -> (0, 0, 0)>
module attributes {stable_mosaic.version = 14 : i64} {
  func.func @_sc_scatter(%arg0: i32, %arg1: i32, %arg2: memref<10000x128xf32, #tpu.memory_space<hbm>>, %arg3: memref<323584xi32, #tpu.memory_space<hbm>>, %arg4: memref<323584xi32, #tpu.memory_space<hbm>>, %arg5: memref<128x128xf32, #tpu.memory_space<hbm>>, %arg6: memref<2x10240x128xf32, #tpu.memory_space<hbm>>, %arg7: memref<10240x128xf32, #tpu.memory_space<vmem_shared>>, %arg8: memref<128xi32, #tpu.memory_space<vmem>>, %arg9: memref<128xi32, #tpu.memory_space<vmem>>, %arg10: memref<128x128xf32, #tpu.memory_space<vmem>>, %arg11: memref<!tpu.dma_semaphore, #tpu.memory_space<semaphore_mem>>) attributes {dimension_semantics = [#tpu.dimension_semantics<core_parallel>, #tpu.dimension_semantics<subcore_parallel>], iteration_bounds = array<i64: 2, 16>, scalar_prefetch = 0 : i64, scratch_operands = 5 : i64, tpu.core_type = #tpu.core_type<sc_vector_subcore>, window_params = [{transform_indices = #map}, {transform_indices = #map1}, {transform_indices = #map1}, {transform_indices = #map}, {transform_indices = #map2}]} {
    %mul3A = arith.constant 16 : i32
    %mul3A_0 = arith.muli %arg0, %mul3A : i32
    %add3A = arith.addi %mul3A_0, %arg1 : i32
    %mul3A_1 = arith.constant 10112 : i32
    %mul3A_2 = arith.muli %add3A, %mul3A_1 : i32
    "tpu.region"() ({
      %run_scoped3A = tpu.sem_alloc : memref<!tpu.dma_semaphore, #tpu.memory_space<semaphore_mem>>
      tpu.enqueue_dma source(%arg5 : memref<128x128xf32, #tpu.memory_space<hbm>>) target(%arg10 : memref<128x128xf32, #tpu.memory_space<vmem>>) target_semaphore(%run_scoped3A : memref<!tpu.dma_semaphore, #tpu.memory_space<semaphore_mem>>)
      tpu.wait_dma2 semaphore(%run_scoped3A : memref<!tpu.dma_semaphore, #tpu.memory_space<semaphore_mem>>) src(%arg5 : memref<128x128xf32, #tpu.memory_space<hbm>>) dst(%arg10 : memref<128x128xf32, #tpu.memory_space<vmem>>)
      tpu.yield
    }) : () -> ()
    %mul3A_3 = arith.constant 5 : i32
    %mul3A_4 = arith.muli %arg1, %mul3A_3 : i32
    %add3A_5 = arith.constant 0 : i32
    %add3A_6 = arith.addi %mul3A_4, %add3A_5 : i32
    %mul3A_7 = arith.constant 128 : i32
    %mul3A_8 = arith.muli %add3A_6, %mul3A_7 : i32
    "tpu.region"() ({
      %run_scoped3A = tpu.sem_alloc : memref<!tpu.dma_semaphore, #tpu.memory_space<semaphore_mem>>
      %dma_start3A = arith.constant 0 : i32
      %dma_start3A_43 = tpu.memref_slice %arg7[%mul3A_8, %dma_start3A] : memref<10240x128xf32, #tpu.memory_space<vmem_shared>> -> memref<128x128xf32, #tpu.memory_space<vmem_shared>>
      %dma_start3A_44 = arith.constant 0 : i32
      %dma_start3A_45 = tpu.memref_slice %arg7[%mul3A_8, %dma_start3A_44] : memref<10240x128xf32, #tpu.memory_space<vmem_shared>> -> memref<128x128xf32, #tpu.memory_space<vmem_shared>>
      tpu.enqueue_dma source(%arg10 : memref<128x128xf32, #tpu.memory_space<vmem>>) target(%dma_start3A_45 : memref<128x128xf32, #tpu.memory_space<vmem_shared>>) target_semaphore(%run_scoped3A : memref<!tpu.dma_semaphore, #tpu.memory_space<semaphore_mem>>)
      %dma_wait3A = arith.constant 0 : i32
      %dma_wait3A_46 = tpu.memref_slice %arg7[%mul3A_8, %dma_wait3A] : memref<10240x128xf32, #tpu.memory_space<vmem_shared>> -> memref<128x128xf32, #tpu.memory_space<vmem_shared>>
      %dma_wait3A_47 = arith.constant 0 : i32
      %dma_wait3A_48 = tpu.memref_slice %arg7[%mul3A_8, %dma_wait3A_47] : memref<10240x128xf32, #tpu.memory_space<vmem_shared>> -> memref<128x128xf32, #tpu.memory_space<vmem_shared>>
      tpu.wait_dma2 semaphore(%run_scoped3A : memref<!tpu.dma_semaphore, #tpu.memory_space<semaphore_mem>>) src(%arg10 : memref<128x128xf32, #tpu.memory_space<vmem>>) dst(%dma_wait3A_48 : memref<128x128xf32, #tpu.memory_space<vmem_shared>>)
      tpu.yield
    }) : () -> ()
    %mul3A_9 = arith.constant 5 : i32
    %mul3A_10 = arith.muli %arg1, %mul3A_9 : i32
    %add3A_11 = arith.constant 1 : i32
    %add3A_12 = arith.addi %mul3A_10, %add3A_11 : i32
    %mul3A_13 = arith.constant 128 : i32
    %mul3A_14 = arith.muli %add3A_12, %mul3A_13 : i32
    "tpu.region"() ({
      %run_scoped3A = tpu.sem_alloc : memref<!tpu.dma_semaphore, #tpu.memory_space<semaphore_mem>>
      %dma_start3A = arith.constant 0 : i32
      %dma_start3A_43 = tpu.memref_slice %arg7[%mul3A_14, %dma_start3A] : memref<10240x128xf32, #tpu.memory_space<vmem_shared>> -> memref<128x128xf32, #tpu.memory_space<vmem_shared>>
      %dma_start3A_44 = arith.constant 0 : i32
      %dma_start3A_45 = tpu.memref_slice %arg7[%mul3A_14, %dma_start3A_44] : memref<10240x128xf32, #tpu.memory_space<vmem_shared>> -> memref<128x128xf32, #tpu.memory_space<vmem_shared>>
      tpu.enqueue_dma source(%arg10 : memref<128x128xf32, #tpu.memory_space<vmem>>) target(%dma_start3A_45 : memref<128x128xf32, #tpu.memory_space<vmem_shared>>) target_semaphore(%run_scoped3A : memref<!tpu.dma_semaphore, #tpu.memory_space<semaphore_mem>>)
      %dma_wait3A = arith.constant 0 : i32
      %dma_wait3A_46 = tpu.memref_slice %arg7[%mul3A_14, %dma_wait3A] : memref<10240x128xf32, #tpu.memory_space<vmem_shared>> -> memref<128x128xf32, #tpu.memory_space<vmem_shared>>
      %dma_wait3A_47 = arith.constant 0 : i32
      %dma_wait3A_48 = tpu.memref_slice %arg7[%mul3A_14, %dma_wait3A_47] : memref<10240x128xf32, #tpu.memory_space<vmem_shared>> -> memref<128x128xf32, #tpu.memory_space<vmem_shared>>
      tpu.wait_dma2 semaphore(%run_scoped3A : memref<!tpu.dma_semaphore, #tpu.memory_space<semaphore_mem>>) src(%arg10 : memref<128x128xf32, #tpu.memory_space<vmem>>) dst(%dma_wait3A_48 : memref<128x128xf32, #tpu.memory_space<vmem_shared>>)
      tpu.yield
    }) : () -> ()
    %mul3A_15 = arith.constant 5 : i32
    %mul3A_16 = arith.muli %arg1, %mul3A_15 : i32
    %add3A_17 = arith.constant 2 : i32
    %add3A_18 = arith.addi %mul3A_16, %add3A_17 : i32
    %mul3A_19 = arith.constant 128 : i32
    %mul3A_20 = arith.muli %add3A_18, %mul3A_19 : i32
    "tpu.region"() ({
      %run_scoped3A = tpu.sem_alloc : memref<!tpu.dma_semaphore, #tpu.memory_space<semaphore_mem>>
      %dma_start3A = arith.constant 0 : i32
      %dma_start3A_43 = tpu.memref_slice %arg7[%mul3A_20, %dma_start3A] : memref<10240x128xf32, #tpu.memory_space<vmem_shared>> -> memref<128x128xf32, #tpu.memory_space<vmem_shared>>
      %dma_start3A_44 = arith.constant 0 : i32
      %dma_start3A_45 = tpu.memref_slice %arg7[%mul3A_20, %dma_start3A_44] : memref<10240x128xf32, #tpu.memory_space<vmem_shared>> -> memref<128x128xf32, #tpu.memory_space<vmem_shared>>
      tpu.enqueue_dma source(%arg10 : memref<128x128xf32, #tpu.memory_space<vmem>>) target(%dma_start3A_45 : memref<128x128xf32, #tpu.memory_space<vmem_shared>>) target_semaphore(%run_scoped3A : memref<!tpu.dma_semaphore, #tpu.memory_space<semaphore_mem>>)
      %dma_wait3A = arith.constant 0 : i32
      %dma_wait3A_46 = tpu.memref_slice %arg7[%mul3A_20, %dma_wait3A] : memref<10240x128xf32, #tpu.memory_space<vmem_shared>> -> memref<128x128xf32, #tpu.memory_space<vmem_shared>>
      %dma_wait3A_47 = arith.constant 0 : i32
      %dma_wait3A_48 = tpu.memref_slice %arg7[%mul3A_20, %dma_wait3A_47] : memref<10240x128xf32, #tpu.memory_space<vmem_shared>> -> memref<128x128xf32, #tpu.memory_space<vmem_shared>>
      tpu.wait_dma2 semaphore(%run_scoped3A : memref<!tpu.dma_semaphore, #tpu.memory_space<semaphore_mem>>) src(%arg10 : memref<128x128xf32, #tpu.memory_space<vmem>>) dst(%dma_wait3A_48 : memref<128x128xf32, #tpu.memory_space<vmem_shared>>)
      tpu.yield
    }) : () -> ()
    %mul3A_21 = arith.constant 5 : i32
    %mul3A_22 = arith.muli %arg1, %mul3A_21 : i32
    %add3A_23 = arith.constant 3 : i32
    %add3A_24 = arith.addi %mul3A_22, %add3A_23 : i32
    %mul3A_25 = arith.constant 128 : i32
    %mul3A_26 = arith.muli %add3A_24, %mul3A_25 : i32
    "tpu.region"() ({
      %run_scoped3A = tpu.sem_alloc : memref<!tpu.dma_semaphore, #tpu.memory_space<semaphore_mem>>
      %dma_start3A = arith.constant 0 : i32
      %dma_start3A_43 = tpu.memref_slice %arg7[%mul3A_26, %dma_start3A] : memref<10240x128xf32, #tpu.memory_space<vmem_shared>> -> memref<128x128xf32, #tpu.memory_space<vmem_shared>>
      %dma_start3A_44 = arith.constant 0 : i32
      %dma_start3A_45 = tpu.memref_slice %arg7[%mul3A_26, %dma_start3A_44] : memref<10240x128xf32, #tpu.memory_space<vmem_shared>> -> memref<128x128xf32, #tpu.memory_space<vmem_shared>>
      tpu.enqueue_dma source(%arg10 : memref<128x128xf32, #tpu.memory_space<vmem>>) target(%dma_start3A_45 : memref<128x128xf32, #tpu.memory_space<vmem_shared>>) target_semaphore(%run_scoped3A : memref<!tpu.dma_semaphore, #tpu.memory_space<semaphore_mem>>)
      %dma_wait3A = arith.constant 0 : i32
      %dma_wait3A_46 = tpu.memref_slice %arg7[%mul3A_26, %dma_wait3A] : memref<10240x128xf32, #tpu.memory_space<vmem_shared>> -> memref<128x128xf32, #tpu.memory_space<vmem_shared>>
      %dma_wait3A_47 = arith.constant 0 : i32
      %dma_wait3A_48 = tpu.memref_slice %arg7[%mul3A_26, %dma_wait3A_47] : memref<10240x128xf32, #tpu.memory_space<vmem_shared>> -> memref<128x128xf32, #tpu.memory_space<vmem_shared>>
      tpu.wait_dma2 semaphore(%run_scoped3A : memref<!tpu.dma_semaphore, #tpu.memory_space<semaphore_mem>>) src(%arg10 : memref<128x128xf32, #tpu.memory_space<vmem>>) dst(%dma_wait3A_48 : memref<128x128xf32, #tpu.memory_space<vmem_shared>>)
      tpu.yield
    }) : () -> ()
    %mul3A_27 = arith.constant 5 : i32
    %mul3A_28 = arith.muli %arg1, %mul3A_27 : i32
    %add3A_29 = arith.constant 4 : i32
    %add3A_30 = arith.addi %mul3A_28, %add3A_29 : i32
    %mul3A_31 = arith.constant 128 : i32
    %mul3A_32 = arith.muli %add3A_30, %mul3A_31 : i32
    "tpu.region"() ({
      %run_scoped3A = tpu.sem_alloc : memref<!tpu.dma_semaphore, #tpu.memory_space<semaphore_mem>>
      %dma_start3A = arith.constant 0 : i32
      %dma_start3A_43 = tpu.memref_slice %arg7[%mul3A_32, %dma_start3A] : memref<10240x128xf32, #tpu.memory_space<vmem_shared>> -> memref<128x128xf32, #tpu.memory_space<vmem_shared>>
      %dma_start3A_44 = arith.constant 0 : i32
      %dma_start3A_45 = tpu.memref_slice %arg7[%mul3A_32, %dma_start3A_44] : memref<10240x128xf32, #tpu.memory_space<vmem_shared>> -> memref<128x128xf32, #tpu.memory_space<vmem_shared>>
      tpu.enqueue_dma source(%arg10 : memref<128x128xf32, #tpu.memory_space<vmem>>) target(%dma_start3A_45 : memref<128x128xf32, #tpu.memory_space<vmem_shared>>) target_semaphore(%run_scoped3A : memref<!tpu.dma_semaphore, #tpu.memory_space<semaphore_mem>>)
      %dma_wait3A = arith.constant 0 : i32
      %dma_wait3A_46 = tpu.memref_slice %arg7[%mul3A_32, %dma_wait3A] : memref<10240x128xf32, #tpu.memory_space<vmem_shared>> -> memref<128x128xf32, #tpu.memory_space<vmem_shared>>
      %dma_wait3A_47 = arith.constant 0 : i32
      %dma_wait3A_48 = tpu.memref_slice %arg7[%mul3A_32, %dma_wait3A_47] : memref<10240x128xf32, #tpu.memory_space<vmem_shared>> -> memref<128x128xf32, #tpu.memory_space<vmem_shared>>
      tpu.wait_dma2 semaphore(%run_scoped3A : memref<!tpu.dma_semaphore, #tpu.memory_space<semaphore_mem>>) src(%arg10 : memref<128x128xf32, #tpu.memory_space<vmem>>) dst(%dma_wait3A_48 : memref<128x128xf32, #tpu.memory_space<vmem_shared>>)
      tpu.yield
    }) : () -> ()
    %barrier3A = arith.constant 0 : index
    tpu.barrier barrier_id(%barrier3A)
    %scan3A = arith.constant 0 : i32
    %scan3A_33 = arith.constant 0 : i32
    %scan3A_34 = arith.constant 79 : i32
    %scan3A_35 = arith.addi %scan3A_33, %scan3A_34 : i32
    %scan3A_36 = arith.constant 1 : i32
    scf.for %scan3A_43 = %scan3A_33 to %scan3A_35 step %scan3A_36  : i32 {
      %mul3A_44 = arith.constant 128 : i32
      %mul3A_45 = arith.muli %scan3A_43, %mul3A_44 : i32
      %add3A_46 = arith.addi %mul3A_2, %mul3A_45 : i32
      %multiple_of3A = tpu.assume_multiple %add3A_46, 8 : i32
      "tpu.region"() ({
        %run_scoped3A = tpu.sem_alloc : memref<!tpu.dma_semaphore, #tpu.memory_space<semaphore_mem>>
        %dma_start3A_51 = tpu.memref_slice %arg3[%multiple_of3A] : memref<323584xi32, #tpu.memory_space<hbm>> -> memref<128xi32, #tpu.memory_space<hbm>>
        %dma_start3A_52 = tpu.memref_slice %arg3[%multiple_of3A] : memref<323584xi32, #tpu.memory_space<hbm>> -> memref<128xi32, #tpu.memory_space<hbm>>
        tpu.enqueue_dma source(%dma_start3A_52 : memref<128xi32, #tpu.memory_space<hbm>>) target(%arg8 : memref<128xi32, #tpu.memory_space<vmem>>) target_semaphore(%run_scoped3A : memref<!tpu.dma_semaphore, #tpu.memory_space<semaphore_mem>>)
        %dma_wait3A_53 = tpu.memref_slice %arg3[%multiple_of3A] : memref<323584xi32, #tpu.memory_space<hbm>> -> memref<128xi32, #tpu.memory_space<hbm>>
        %dma_wait3A_54 = tpu.memref_slice %arg3[%multiple_of3A] : memref<323584xi32, #tpu.memory_space<hbm>> -> memref<128xi32, #tpu.memory_space<hbm>>
        tpu.wait_dma2 semaphore(%run_scoped3A : memref<!tpu.dma_semaphore, #tpu.memory_space<semaphore_mem>>) src(%dma_wait3A_54 : memref<128xi32, #tpu.memory_space<hbm>>) dst(%arg8 : memref<128xi32, #tpu.memory_space<vmem>>)
        tpu.yield
      }) : () -> ()
      "tpu.region"() ({
        %run_scoped3A = tpu.sem_alloc : memref<!tpu.dma_semaphore, #tpu.memory_space<semaphore_mem>>
        %dma_start3A_51 = tpu.memref_slice %arg4[%multiple_of3A] : memref<323584xi32, #tpu.memory_space<hbm>> -> memref<128xi32, #tpu.memory_space<hbm>>
        %dma_start3A_52 = tpu.memref_slice %arg4[%multiple_of3A] : memref<323584xi32, #tpu.memory_space<hbm>> -> memref<128xi32, #tpu.memory_space<hbm>>
        tpu.enqueue_dma source(%dma_start3A_52 : memref<128xi32, #tpu.memory_space<hbm>>) target(%arg9 : memref<128xi32, #tpu.memory_space<vmem>>) target_semaphore(%run_scoped3A : memref<!tpu.dma_semaphore, #tpu.memory_space<semaphore_mem>>)
        %dma_wait3A_53 = tpu.memref_slice %arg4[%multiple_of3A] : memref<323584xi32, #tpu.memory_space<hbm>> -> memref<128xi32, #tpu.memory_space<hbm>>
        %dma_wait3A_54 = tpu.memref_slice %arg4[%multiple_of3A] : memref<323584xi32, #tpu.memory_space<hbm>> -> memref<128xi32, #tpu.memory_space<hbm>>
        tpu.wait_dma2 semaphore(%run_scoped3A : memref<!tpu.dma_semaphore, #tpu.memory_space<semaphore_mem>>) src(%dma_wait3A_54 : memref<128xi32, #tpu.memory_space<hbm>>) dst(%arg9 : memref<128xi32, #tpu.memory_space<vmem>>)
        tpu.yield
      }) : () -> ()
      %dma_start3A = arith.constant 0 : i32
      %dma_start3A_47 = arith.constant 0 : i32
      %dma_start3A_48 = tpu.memref_slice %arg2[%dma_start3A, %dma_start3A_47] : memref<10000x128xf32, #tpu.memory_space<hbm>> -> memref<10000x128xf32, #tpu.memory_space<hbm>>
      tpu.enqueue_indirect_dma source(%dma_start3A_48 : memref<10000x128xf32, #tpu.memory_space<hbm>>) target(%arg10 : memref<128x128xf32, #tpu.memory_space<vmem>>) offsets(%arg8 : memref<128xi32, #tpu.memory_space<vmem>>) semaphore(%arg11 : memref<!tpu.dma_semaphore, #tpu.memory_space<semaphore_mem>>)
      %dma_wait3A = arith.constant 0 : i32
      %dma_wait3A_49 = arith.constant 0 : i32
      %dma_wait3A_50 = tpu.memref_slice %arg2[%dma_wait3A, %dma_wait3A_49] : memref<10000x128xf32, #tpu.memory_space<hbm>> -> memref<10000x128xf32, #tpu.memory_space<hbm>>
      tpu.wait_indirect_dma semaphore(%arg11 : memref<!tpu.dma_semaphore, #tpu.memory_space<semaphore_mem>>) src(%dma_wait3A_50 : memref<10000x128xf32, #tpu.memory_space<hbm>>) dst(%arg10 : memref<128x128xf32, #tpu.memory_space<vmem>>)
      "tpu.region"() ({
        %run_scoped3A = tpu.sem_alloc : memref<!tpu.dma_semaphore, #tpu.memory_space<semaphore_mem>>
        %dma_start3A_51 = arith.constant 0 : i32
        %dma_start3A_52 = arith.constant 0 : i32
        %dma_start3A_53 = tpu.memref_slice %arg7[%dma_start3A_51, %dma_start3A_52] : memref<10240x128xf32, #tpu.memory_space<vmem_shared>> -> memref<10240x128xf32, #tpu.memory_space<vmem_shared>>
        tpu.enqueue_indirect_dma source(%arg10 : memref<128x128xf32, #tpu.memory_space<vmem>>) target(%dma_start3A_53 : memref<10240x128xf32, #tpu.memory_space<vmem_shared>>) offsets(%arg9 : memref<128xi32, #tpu.memory_space<vmem>>) semaphore(%run_scoped3A : memref<!tpu.dma_semaphore, #tpu.memory_space<semaphore_mem>>) {add = true}
        %dma_wait3A_54 = arith.constant 0 : i32
        %dma_wait3A_55 = arith.constant 0 : i32
        %dma_wait3A_56 = tpu.memref_slice %arg7[%dma_wait3A_54, %dma_wait3A_55] : memref<10240x128xf32, #tpu.memory_space<vmem_shared>> -> memref<10240x128xf32, #tpu.memory_space<vmem_shared>>
        tpu.wait_indirect_dma semaphore(%run_scoped3A : memref<!tpu.dma_semaphore, #tpu.memory_space<semaphore_mem>>) src(%arg10 : memref<128x128xf32, #tpu.memory_space<vmem>>) dst(%dma_wait3A_56 : memref<10240x128xf32, #tpu.memory_space<vmem_shared>>)
        tpu.yield
      }) : () -> ()
    }
    %scan3A_37 = arith.constant 79 : i32
    %barrier3A_38 = arith.constant 0 : index
    tpu.barrier barrier_id(%barrier3A_38)
    %mul3A_39 = arith.constant 640 : i32
    %mul3A_40 = arith.muli %arg1, %mul3A_39 : i32
    %mul3A_41 = arith.constant 640 : i32
    %mul3A_42 = arith.muli %arg1, %mul3A_41 : i32
    "tpu.region"() ({
      %run_scoped3A = tpu.sem_alloc : memref<!tpu.dma_semaphore, #tpu.memory_space<semaphore_mem>>
      %dma_start3A = arith.constant 0 : i32
      %dma_start3A_43 = tpu.memref_slice %arg6[%arg0, %mul3A_42, %dma_start3A] : memref<2x10240x128xf32, #tpu.memory_space<hbm>> -> memref<1x640x128xf32, #tpu.memory_space<hbm>>
      %dma_start3A_44 = tpu.memref_squeeze %dma_start3A_43 : memref<1x640x128xf32, #tpu.memory_space<hbm>> -> memref<640x128xf32, #tpu.memory_space<hbm>>
      %dma_start3A_45 = arith.constant 0 : i32
      %dma_start3A_46 = tpu.memref_slice %arg7[%mul3A_40, %dma_start3A_45] : memref<10240x128xf32, #tpu.memory_space<vmem_shared>> -> memref<640x128xf32, #tpu.memory_space<vmem_shared>>
      tpu.enqueue_dma source(%dma_start3A_46 : memref<640x128xf32, #tpu.memory_space<vmem_shared>>) target(%dma_start3A_44 : memref<640x128xf32, #tpu.memory_space<hbm>>) target_semaphore(%run_scoped3A : memref<!tpu.dma_semaphore, #tpu.memory_space<semaphore_mem>>)
      %dma_wait3A = arith.constant 0 : i32
      %dma_wait3A_47 = tpu.memref_slice %arg6[%arg0, %mul3A_42, %dma_wait3A] : memref<2x10240x128xf32, #tpu.memory_space<hbm>> -> memref<1x640x128xf32, #tpu.memory_space<hbm>>
      %dma_wait3A_48 = tpu.memref_squeeze %dma_wait3A_47 : memref<1x640x128xf32, #tpu.memory_space<hbm>> -> memref<640x128xf32, #tpu.memory_space<hbm>>
      %dma_wait3A_49 = arith.constant 0 : i32
      %dma_wait3A_50 = tpu.memref_slice %arg7[%mul3A_40, %dma_wait3A_49] : memref<10240x128xf32, #tpu.memory_space<vmem_shared>> -> memref<640x128xf32, #tpu.memory_space<vmem_shared>>
      tpu.wait_dma2 semaphore(%run_scoped3A : memref<!tpu.dma_semaphore, #tpu.memory_space<semaphore_mem>>) src(%dma_wait3A_50 : memref<640x128xf32, #tpu.memory_space<vmem_shared>>) dst(%dma_wait3A_48 : memref<640x128xf32, #tpu.memory_space<hbm>>)
      tpu.yield
    }) : () -> ()
    return
  }
}

#map = affine_map<(d0, d1) -> (0, 0)>
#map1 = affine_map<(d0, d1) -> (0)>
#map2 = affine_map<(d0, d1) -> (0, 0, 0)>
module attributes {stable_mosaic.version = 14 : i64} {
  func.func @_sc_scatter(%arg0: i32, %arg1: i32, %arg2: memref<10000x128xf32, #tpu.memory_space<hbm>>, %arg3: memref<323584xi32, #tpu.memory_space<hbm>>, %arg4: memref<323584xi32, #tpu.memory_space<hbm>>, %arg5: memref<128x128xf32, #tpu.memory_space<hbm>>, %arg6: memref<2x10240x128xf32, #tpu.memory_space<hbm>>, %arg7: memref<10240x128xf32, #tpu.memory_space<vmem_shared>>, %arg8: memref<128xi32, #tpu.memory_space<vmem>>, %arg9: memref<128xi32, #tpu.memory_space<vmem>>, %arg10: memref<128x128xf32, #tpu.memory_space<vmem>>, %arg11: memref<!tpu.dma_semaphore, #tpu.memory_space<semaphore_mem>>) attributes {dimension_semantics = [#tpu.dimension_semantics<core_parallel>, #tpu.dimension_semantics<subcore_parallel>], iteration_bounds = array<i64: 2, 16>, scalar_prefetch = 0 : i64, scratch_operands = 5 : i64, tpu.core_type = #tpu.core_type<sc_vector_subcore>, window_params = [{transform_indices = #map}, {transform_indices = #map1}, {transform_indices = #map1}, {transform_indices = #map}, {transform_indices = #map2}]} {
    %mul3A = arith.constant 16 : i32
    %mul3A_0 = arith.muli %arg0, %mul3A : i32
    %add3A = arith.addi %mul3A_0, %arg1 : i32
    %mul3A_1 = arith.constant 10112 : i32
    %mul3A_2 = arith.muli %add3A, %mul3A_1 : i32
    "tpu.region"() ({
      %run_scoped3A = tpu.sem_alloc : memref<!tpu.dma_semaphore, #tpu.memory_space<semaphore_mem>>
      tpu.enqueue_dma source(%arg5 : memref<128x128xf32, #tpu.memory_space<hbm>>) target(%arg10 : memref<128x128xf32, #tpu.memory_space<vmem>>) target_semaphore(%run_scoped3A : memref<!tpu.dma_semaphore, #tpu.memory_space<semaphore_mem>>)
      tpu.wait_dma2 semaphore(%run_scoped3A : memref<!tpu.dma_semaphore, #tpu.memory_space<semaphore_mem>>) src(%arg5 : memref<128x128xf32, #tpu.memory_space<hbm>>) dst(%arg10 : memref<128x128xf32, #tpu.memory_space<vmem>>)
      tpu.yield
    }) : () -> ()
    %mul3A_3 = arith.constant 5 : i32
    %mul3A_4 = arith.muli %arg1, %mul3A_3 : i32
    %add3A_5 = arith.constant 0 : i32
    %add3A_6 = arith.addi %mul3A_4, %add3A_5 : i32
    %mul3A_7 = arith.constant 128 : i32
    %mul3A_8 = arith.muli %add3A_6, %mul3A_7 : i32
    "tpu.region"() ({
      %run_scoped3A = tpu.sem_alloc : memref<!tpu.dma_semaphore, #tpu.memory_space<semaphore_mem>>
      %dma_start3A = arith.constant 0 : i32
      %dma_start3A_43 = tpu.memref_slice %arg7[%mul3A_8, %dma_start3A] : memref<10240x128xf32, #tpu.memory_space<vmem_shared>> -> memref<128x128xf32, #tpu.memory_space<vmem_shared>>
      %dma_start3A_44 = arith.constant 0 : i32
      %dma_start3A_45 = tpu.memref_slice %arg7[%mul3A_8, %dma_start3A_44] : memref<10240x128xf32, #tpu.memory_space<vmem_shared>> -> memref<128x128xf32, #tpu.memory_space<vmem_shared>>
      tpu.enqueue_dma source(%arg10 : memref<128x128xf32, #tpu.memory_space<vmem>>) target(%dma_start3A_45 : memref<128x128xf32, #tpu.memory_space<vmem_shared>>) target_semaphore(%run_scoped3A : memref<!tpu.dma_semaphore, #tpu.memory_space<semaphore_mem>>)
      %dma_wait3A = arith.constant 0 : i32
      %dma_wait3A_46 = tpu.memref_slice %arg7[%mul3A_8, %dma_wait3A] : memref<10240x128xf32, #tpu.memory_space<vmem_shared>> -> memref<128x128xf32, #tpu.memory_space<vmem_shared>>
      %dma_wait3A_47 = arith.constant 0 : i32
      %dma_wait3A_48 = tpu.memref_slice %arg7[%mul3A_8, %dma_wait3A_47] : memref<10240x128xf32, #tpu.memory_space<vmem_shared>> -> memref<128x128xf32, #tpu.memory_space<vmem_shared>>
      tpu.wait_dma2 semaphore(%run_scoped3A : memref<!tpu.dma_semaphore, #tpu.memory_space<semaphore_mem>>) src(%arg10 : memref<128x128xf32, #tpu.memory_space<vmem>>) dst(%dma_wait3A_48 : memref<128x128xf32, #tpu.memory_space<vmem_shared>>)
      tpu.yield
    }) : () -> ()
    %mul3A_9 = arith.constant 5 : i32
    %mul3A_10 = arith.muli %arg1, %mul3A_9 : i32
    %add3A_11 = arith.constant 1 : i32
    %add3A_12 = arith.addi %mul3A_10, %add3A_11 : i32
    %mul3A_13 = arith.constant 128 : i32
    %mul3A_14 = arith.muli %add3A_12, %mul3A_13 : i32
    "tpu.region"() ({
      %run_scoped3A = tpu.sem_alloc : memref<!tpu.dma_semaphore, #tpu.memory_space<semaphore_mem>>
      %dma_start3A = arith.constant 0 : i32
      %dma_start3A_43 = tpu.memref_slice %arg7[%mul3A_14, %dma_start3A] : memref<10240x128xf32, #tpu.memory_space<vmem_shared>> -> memref<128x128xf32, #tpu.memory_space<vmem_shared>>
      %dma_start3A_44 = arith.constant 0 : i32
      %dma_start3A_45 = tpu.memref_slice %arg7[%mul3A_14, %dma_start3A_44] : memref<10240x128xf32, #tpu.memory_space<vmem_shared>> -> memref<128x128xf32, #tpu.memory_space<vmem_shared>>
      tpu.enqueue_dma source(%arg10 : memref<128x128xf32, #tpu.memory_space<vmem>>) target(%dma_start3A_45 : memref<128x128xf32, #tpu.memory_space<vmem_shared>>) target_semaphore(%run_scoped3A : memref<!tpu.dma_semaphore, #tpu.memory_space<semaphore_mem>>)
      %dma_wait3A = arith.constant 0 : i32
      %dma_wait3A_46 = tpu.memref_slice %arg7[%mul3A_14, %dma_wait3A] : memref<10240x128xf32, #tpu.memory_space<vmem_shared>> -> memref<128x128xf32, #tpu.memory_space<vmem_shared>>
      %dma_wait3A_47 = arith.constant 0 : i32
      %dma_wait3A_48 = tpu.memref_slice %arg7[%mul3A_14, %dma_wait3A_47] : memref<10240x128xf32, #tpu.memory_space<vmem_shared>> -> memref<128x128xf32, #tpu.memory_space<vmem_shared>>
      tpu.wait_dma2 semaphore(%run_scoped3A : memref<!tpu.dma_semaphore, #tpu.memory_space<semaphore_mem>>) src(%arg10 : memref<128x128xf32, #tpu.memory_space<vmem>>) dst(%dma_wait3A_48 : memref<128x128xf32, #tpu.memory_space<vmem_shared>>)
      tpu.yield
    }) : () -> ()
    %mul3A_15 = arith.constant 5 : i32
    %mul3A_16 = arith.muli %arg1, %mul3A_15 : i32
    %add3A_17 = arith.constant 2 : i32
    %add3A_18 = arith.addi %mul3A_16, %add3A_17 : i32
    %mul3A_19 = arith.constant 128 : i32
    %mul3A_20 = arith.muli %add3A_18, %mul3A_19 : i32
    "tpu.region"() ({
      %run_scoped3A = tpu.sem_alloc : memref<!tpu.dma_semaphore, #tpu.memory_space<semaphore_mem>>
      %dma_start3A = arith.constant 0 : i32
      %dma_start3A_43 = tpu.memref_slice %arg7[%mul3A_20, %dma_start3A] : memref<10240x128xf32, #tpu.memory_space<vmem_shared>> -> memref<128x128xf32, #tpu.memory_space<vmem_shared>>
      %dma_start3A_44 = arith.constant 0 : i32
      %dma_start3A_45 = tpu.memref_slice %arg7[%mul3A_20, %dma_start3A_44] : memref<10240x128xf32, #tpu.memory_space<vmem_shared>> -> memref<128x128xf32, #tpu.memory_space<vmem_shared>>
      tpu.enqueue_dma source(%arg10 : memref<128x128xf32, #tpu.memory_space<vmem>>) target(%dma_start3A_45 : memref<128x128xf32, #tpu.memory_space<vmem_shared>>) target_semaphore(%run_scoped3A : memref<!tpu.dma_semaphore, #tpu.memory_space<semaphore_mem>>)
      %dma_wait3A = arith.constant 0 : i32
      %dma_wait3A_46 = tpu.memref_slice %arg7[%mul3A_20, %dma_wait3A] : memref<10240x128xf32, #tpu.memory_space<vmem_shared>> -> memref<128x128xf32, #tpu.memory_space<vmem_shared>>
      %dma_wait3A_47 = arith.constant 0 : i32
      %dma_wait3A_48 = tpu.memref_slice %arg7[%mul3A_20, %dma_wait3A_47] : memref<10240x128xf32, #tpu.memory_space<vmem_shared>> -> memref<128x128xf32, #tpu.memory_space<vmem_shared>>
      tpu.wait_dma2 semaphore(%run_scoped3A : memref<!tpu.dma_semaphore, #tpu.memory_space<semaphore_mem>>) src(%arg10 : memref<128x128xf32, #tpu.memory_space<vmem>>) dst(%dma_wait3A_48 : memref<128x128xf32, #tpu.memory_space<vmem_shared>>)
      tpu.yield
    }) : () -> ()
    %mul3A_21 = arith.constant 5 : i32
    %mul3A_22 = arith.muli %arg1, %mul3A_21 : i32
    %add3A_23 = arith.constant 3 : i32
    %add3A_24 = arith.addi %mul3A_22, %add3A_23 : i32
    %mul3A_25 = arith.constant 128 : i32
    %mul3A_26 = arith.muli %add3A_24, %mul3A_25 : i32
    "tpu.region"() ({
      %run_scoped3A = tpu.sem_alloc : memref<!tpu.dma_semaphore, #tpu.memory_space<semaphore_mem>>
      %dma_start3A = arith.constant 0 : i32
      %dma_start3A_43 = tpu.memref_slice %arg7[%mul3A_26, %dma_start3A] : memref<10240x128xf32, #tpu.memory_space<vmem_shared>> -> memref<128x128xf32, #tpu.memory_space<vmem_shared>>
      %dma_start3A_44 = arith.constant 0 : i32
      %dma_start3A_45 = tpu.memref_slice %arg7[%mul3A_26, %dma_start3A_44] : memref<10240x128xf32, #tpu.memory_space<vmem_shared>> -> memref<128x128xf32, #tpu.memory_space<vmem_shared>>
      tpu.enqueue_dma source(%arg10 : memref<128x128xf32, #tpu.memory_space<vmem>>) target(%dma_start3A_45 : memref<128x128xf32, #tpu.memory_space<vmem_shared>>) target_semaphore(%run_scoped3A : memref<!tpu.dma_semaphore, #tpu.memory_space<semaphore_mem>>)
      %dma_wait3A = arith.constant 0 : i32
      %dma_wait3A_46 = tpu.memref_slice %arg7[%mul3A_26, %dma_wait3A] : memref<10240x128xf32, #tpu.memory_space<vmem_shared>> -> memref<128x128xf32, #tpu.memory_space<vmem_shared>>
      %dma_wait3A_47 = arith.constant 0 : i32
      %dma_wait3A_48 = tpu.memref_slice %arg7[%mul3A_26, %dma_wait3A_47] : memref<10240x128xf32, #tpu.memory_space<vmem_shared>> -> memref<128x128xf32, #tpu.memory_space<vmem_shared>>
      tpu.wait_dma2 semaphore(%run_scoped3A : memref<!tpu.dma_semaphore, #tpu.memory_space<semaphore_mem>>) src(%arg10 : memref<128x128xf32, #tpu.memory_space<vmem>>) dst(%dma_wait3A_48 : memref<128x128xf32, #tpu.memory_space<vmem_shared>>)
      tpu.yield
    }) : () -> ()
    %mul3A_27 = arith.constant 5 : i32
    %mul3A_28 = arith.muli %arg1, %mul3A_27 : i32
    %add3A_29 = arith.constant 4 : i32
    %add3A_30 = arith.addi %mul3A_28, %add3A_29 : i32
    %mul3A_31 = arith.constant 128 : i32
    %mul3A_32 = arith.muli %add3A_30, %mul3A_31 : i32
    "tpu.region"() ({
      %run_scoped3A = tpu.sem_alloc : memref<!tpu.dma_semaphore, #tpu.memory_space<semaphore_mem>>
      %dma_start3A = arith.constant 0 : i32
      %dma_start3A_43 = tpu.memref_slice %arg7[%mul3A_32, %dma_start3A] : memref<10240x128xf32, #tpu.memory_space<vmem_shared>> -> memref<128x128xf32, #tpu.memory_space<vmem_shared>>
      %dma_start3A_44 = arith.constant 0 : i32
      %dma_start3A_45 = tpu.memref_slice %arg7[%mul3A_32, %dma_start3A_44] : memref<10240x128xf32, #tpu.memory_space<vmem_shared>> -> memref<128x128xf32, #tpu.memory_space<vmem_shared>>
      tpu.enqueue_dma source(%arg10 : memref<128x128xf32, #tpu.memory_space<vmem>>) target(%dma_start3A_45 : memref<128x128xf32, #tpu.memory_space<vmem_shared>>) target_semaphore(%run_scoped3A : memref<!tpu.dma_semaphore, #tpu.memory_space<semaphore_mem>>)
      %dma_wait3A = arith.constant 0 : i32
      %dma_wait3A_46 = tpu.memref_slice %arg7[%mul3A_32, %dma_wait3A] : memref<10240x128xf32, #tpu.memory_space<vmem_shared>> -> memref<128x128xf32, #tpu.memory_space<vmem_shared>>
      %dma_wait3A_47 = arith.constant 0 : i32
      %dma_wait3A_48 = tpu.memref_slice %arg7[%mul3A_32, %dma_wait3A_47] : memref<10240x128xf32, #tpu.memory_space<vmem_shared>> -> memref<128x128xf32, #tpu.memory_space<vmem_shared>>
      tpu.wait_dma2 semaphore(%run_scoped3A : memref<!tpu.dma_semaphore, #tpu.memory_space<semaphore_mem>>) src(%arg10 : memref<128x128xf32, #tpu.memory_space<vmem>>) dst(%dma_wait3A_48 : memref<128x128xf32, #tpu.memory_space<vmem_shared>>)
      tpu.yield
    }) : () -> ()
    %barrier3A = arith.constant 0 : index
    tpu.barrier barrier_id(%barrier3A)
    %scan3A = arith.constant 0 : i32
    %scan3A_33 = arith.constant 0 : i32
    %scan3A_34 = arith.constant 79 : i32
    %scan3A_35 = arith.addi %scan3A_33, %scan3A_34 : i32
    %scan3A_36 = arith.constant 1 : i32
    scf.for %scan3A_43 = %scan3A_33 to %scan3A_35 step %scan3A_36  : i32 {
      %mul3A_44 = arith.constant 128 : i32
      %mul3A_45 = arith.muli %scan3A_43, %mul3A_44 : i32
      %add3A_46 = arith.addi %mul3A_2, %mul3A_45 : i32
      %multiple_of3A = tpu.assume_multiple %add3A_46, 8 : i32
      "tpu.region"() ({
        %run_scoped3A = tpu.sem_alloc : memref<!tpu.dma_semaphore, #tpu.memory_space<semaphore_mem>>
        %dma_start3A_51 = tpu.memref_slice %arg3[%multiple_of3A] : memref<323584xi32, #tpu.memory_space<hbm>> -> memref<128xi32, #tpu.memory_space<hbm>>
        %dma_start3A_52 = tpu.memref_slice %arg3[%multiple_of3A] : memref<323584xi32, #tpu.memory_space<hbm>> -> memref<128xi32, #tpu.memory_space<hbm>>
        tpu.enqueue_dma source(%dma_start3A_52 : memref<128xi32, #tpu.memory_space<hbm>>) target(%arg8 : memref<128xi32, #tpu.memory_space<vmem>>) target_semaphore(%run_scoped3A : memref<!tpu.dma_semaphore, #tpu.memory_space<semaphore_mem>>)
        %dma_wait3A_53 = tpu.memref_slice %arg3[%multiple_of3A] : memref<323584xi32, #tpu.memory_space<hbm>> -> memref<128xi32, #tpu.memory_space<hbm>>
        %dma_wait3A_54 = tpu.memref_slice %arg3[%multiple_of3A] : memref<323584xi32, #tpu.memory_space<hbm>> -> memref<128xi32, #tpu.memory_space<hbm>>
        tpu.wait_dma2 semaphore(%run_scoped3A : memref<!tpu.dma_semaphore, #tpu.memory_space<semaphore_mem>>) src(%dma_wait3A_54 : memref<128xi32, #tpu.memory_space<hbm>>) dst(%arg8 : memref<128xi32, #tpu.memory_space<vmem>>)
        tpu.yield
      }) : () -> ()
      "tpu.region"() ({
        %run_scoped3A = tpu.sem_alloc : memref<!tpu.dma_semaphore, #tpu.memory_space<semaphore_mem>>
        %dma_start3A_51 = tpu.memref_slice %arg4[%multiple_of3A] : memref<323584xi32, #tpu.memory_space<hbm>> -> memref<128xi32, #tpu.memory_space<hbm>>
        %dma_start3A_52 = tpu.memref_slice %arg4[%multiple_of3A] : memref<323584xi32, #tpu.memory_space<hbm>> -> memref<128xi32, #tpu.memory_space<hbm>>
        tpu.enqueue_dma source(%dma_start3A_52 : memref<128xi32, #tpu.memory_space<hbm>>) target(%arg9 : memref<128xi32, #tpu.memory_space<vmem>>) target_semaphore(%run_scoped3A : memref<!tpu.dma_semaphore, #tpu.memory_space<semaphore_mem>>)
        %dma_wait3A_53 = tpu.memref_slice %arg4[%multiple_of3A] : memref<323584xi32, #tpu.memory_space<hbm>> -> memref<128xi32, #tpu.memory_space<hbm>>
        %dma_wait3A_54 = tpu.memref_slice %arg4[%multiple_of3A] : memref<323584xi32, #tpu.memory_space<hbm>> -> memref<128xi32, #tpu.memory_space<hbm>>
        tpu.wait_dma2 semaphore(%run_scoped3A : memref<!tpu.dma_semaphore, #tpu.memory_space<semaphore_mem>>) src(%dma_wait3A_54 : memref<128xi32, #tpu.memory_space<hbm>>) dst(%arg9 : memref<128xi32, #tpu.memory_space<vmem>>)
        tpu.yield
      }) : () -> ()
      %dma_start3A = arith.constant 0 : i32
      %dma_start3A_47 = arith.constant 0 : i32
      %dma_start3A_48 = tpu.memref_slice %arg2[%dma_start3A, %dma_start3A_47] : memref<10000x128xf32, #tpu.memory_space<hbm>> -> memref<10000x128xf32, #tpu.memory_space<hbm>>
      tpu.enqueue_indirect_dma source(%dma_start3A_48 : memref<10000x128xf32, #tpu.memory_space<hbm>>) target(%arg10 : memref<128x128xf32, #tpu.memory_space<vmem>>) offsets(%arg8 : memref<128xi32, #tpu.memory_space<vmem>>) semaphore(%arg11 : memref<!tpu.dma_semaphore, #tpu.memory_space<semaphore_mem>>)
      %dma_wait3A = arith.constant 0 : i32
      %dma_wait3A_49 = arith.constant 0 : i32
      %dma_wait3A_50 = tpu.memref_slice %arg2[%dma_wait3A, %dma_wait3A_49] : memref<10000x128xf32, #tpu.memory_space<hbm>> -> memref<10000x128xf32, #tpu.memory_space<hbm>>
      tpu.wait_indirect_dma semaphore(%arg11 : memref<!tpu.dma_semaphore, #tpu.memory_space<semaphore_mem>>) src(%dma_wait3A_50 : memref<10000x128xf32, #tpu.memory_space<hbm>>) dst(%arg10 : memref<128x128xf32, #tpu.memory_space<vmem>>)
      "tpu.region"() ({
        %run_scoped3A = tpu.sem_alloc : memref<!tpu.dma_semaphore, #tpu.memory_space<semaphore_mem>>
        %dma_start3A_51 = arith.constant 0 : i32
        %dma_start3A_52 = arith.constant 0 : i32
        %dma_start3A_53 = tpu.memref_slice %arg7[%dma_start3A_51, %dma_start3A_52] : memref<10240x128xf32, #tpu.memory_space<vmem_shared>> -> memref<10240x128xf32, #tpu.memory_space<vmem_shared>>
        tpu.enqueue_indirect_dma source(%arg10 : memref<128x128xf32, #tpu.memory_space<vmem>>) target(%dma_start3A_53 : memref<10240x128xf32, #tpu.memory_space<vmem_shared>>) offsets(%arg9 : memref<128xi32, #tpu.memory_space<vmem>>) semaphore(%run_scoped3A : memref<!tpu.dma_semaphore, #tpu.memory_space<semaphore_mem>>) {add = true}
        %dma_wait3A_54 = arith.constant 0 : i32
        %dma_wait3A_55 = arith.constant 0 : i32
        %dma_wait3A_56 = tpu.memref_slice %arg7[%dma_wait3A_54, %dma_wait3A_55] : memref<10240x128xf32, #tpu.memory_space<vmem_shared>> -> memref<10240x128xf32, #tpu.memory_space<vmem_shared>>
        tpu.wait_indirect_dma semaphore(%run_scoped3A : memref<!tpu.dma_semaphore, #tpu.memory_space<semaphore_mem>>) src(%arg10 : memref<128x128xf32, #tpu.memory_space<vmem>>) dst(%dma_wait3A_56 : memref<10240x128xf32, #tpu.memory_space<vmem_shared>>)
        tpu.yield
      }) : () -> ()
    }
    %scan3A_37 = arith.constant 79 : i32
    %barrier3A_38 = arith.constant 0 : index
    tpu.barrier barrier_id(%barrier3A_38)
    %mul3A_39 = arith.constant 640 : i32
    %mul3A_40 = arith.muli %arg1, %mul3A_39 : i32
    %mul3A_41 = arith.constant 640 : i32
    %mul3A_42 = arith.muli %arg1, %mul3A_41 : i32
    "tpu.region"() ({
      %run_scoped3A = tpu.sem_alloc : memref<!tpu.dma_semaphore, #tpu.memory_space<semaphore_mem>>
      %dma_start3A = arith.constant 0 : i32
      %dma_start3A_43 = tpu.memref_slice %arg6[%arg0, %mul3A_42, %dma_start3A] : memref<2x10240x128xf32, #tpu.memory_space<hbm>> -> memref<1x640x128xf32, #tpu.memory_space<hbm>>
      %dma_start3A_44 = tpu.memref_squeeze %dma_start3A_43 : memref<1x640x128xf32, #tpu.memory_space<hbm>> -> memref<640x128xf32, #tpu.memory_space<hbm>>
      %dma_start3A_45 = arith.constant 0 : i32
      %dma_start3A_46 = tpu.memref_slice %arg7[%mul3A_40, %dma_start3A_45] : memref<10240x128xf32, #tpu.memory_space<vmem_shared>> -> memref<640x128xf32, #tpu.memory_space<vmem_shared>>
      tpu.enqueue_dma source(%dma_start3A_46 : memref<640x128xf32, #tpu.memory_space<vmem_shared>>) target(%dma_start3A_44 : memref<640x128xf32, #tpu.memory_space<hbm>>) target_semaphore(%run_scoped3A : memref<!tpu.dma_semaphore, #tpu.memory_space<semaphore_mem>>)
      %dma_wait3A = arith.constant 0 : i32
      %dma_wait3A_47 = tpu.memref_slice %arg6[%arg0, %mul3A_42, %dma_wait3A] : memref<2x10240x128xf32, #tpu.memory_space<hbm>> -> memref<1x640x128xf32, #tpu.memory_space<hbm>>
      %dma_wait3A_48 = tpu.memref_squeeze %dma_wait3A_47 : memref<1x640x128xf32, #tpu.memory_space<hbm>> -> memref<640x128xf32, #tpu.memory_space<hbm>>
      %dma_wait3A_49 = arith.constant 0 : i32
      %dma_wait3A_50 = tpu.memref_slice %arg7[%mul3A_40, %dma_wait3A_49] : memref<10240x128xf32, #tpu.memory_space<vmem_shared>> -> memref<640x128xf32, #tpu.memory_space<vmem_shared>>
      tpu.wait_dma2 semaphore(%run_scoped3A : memref<!tpu.dma_semaphore, #tpu.memory_space<semaphore_mem>>) src(%dma_wait3A_50 : memref<640x128xf32, #tpu.memory_space<vmem_shared>>) dst(%dma_wait3A_48 : memref<640x128xf32, #tpu.memory_space<hbm>>)
      tpu.yield
    }) : () -> ()
    return
  }
}

#map = affine_map<(d0, d1) -> (0)>
#map1 = affine_map<(d0, d1) -> (0, 0)>
#map2 = affine_map<(d0, d1) -> (0, 0, 0)>
module attributes {stable_mosaic.version = 14 : i64} {
  func.func @_sc_count(%arg0: i32, %arg1: i32, %arg2: memref<323584xi32, #tpu.memory_space<hbm>>, %arg3: memref<128x128xf32, #tpu.memory_space<hbm>>, %arg4: memref<128x128xf32, #tpu.memory_space<hbm>>, %arg5: memref<2x10240x128xf32, #tpu.memory_space<hbm>>, %arg6: memref<10240x128xf32, #tpu.memory_space<vmem_shared>>, %arg7: memref<128xi32, #tpu.memory_space<vmem>>, %arg8: memref<128x128xf32, #tpu.memory_space<vmem>>, %arg9: memref<128x128xf32, #tpu.memory_space<vmem>>) attributes {dimension_semantics = [#tpu.dimension_semantics<core_parallel>, #tpu.dimension_semantics<subcore_parallel>], iteration_bounds = array<i64: 2, 16>, scalar_prefetch = 0 : i64, scratch_operands = 4 : i64, tpu.core_type = #tpu.core_type<sc_vector_subcore>, window_params = [{transform_indices = #map}, {transform_indices = #map1}, {transform_indices = #map1}, {transform_indices = #map2}]} {
    %mul3A = arith.constant 16 : i32
    %mul3A_0 = arith.muli %arg0, %mul3A : i32
    %add3A = arith.addi %mul3A_0, %arg1 : i32
    %mul3A_1 = arith.constant 10112 : i32
    %mul3A_2 = arith.muli %add3A, %mul3A_1 : i32
    "tpu.region"() ({
      %run_scoped3A = tpu.sem_alloc : memref<!tpu.dma_semaphore, #tpu.memory_space<semaphore_mem>>
      tpu.enqueue_dma source(%arg4 : memref<128x128xf32, #tpu.memory_space<hbm>>) target(%arg9 : memref<128x128xf32, #tpu.memory_space<vmem>>) target_semaphore(%run_scoped3A : memref<!tpu.dma_semaphore, #tpu.memory_space<semaphore_mem>>)
      tpu.wait_dma2 semaphore(%run_scoped3A : memref<!tpu.dma_semaphore, #tpu.memory_space<semaphore_mem>>) src(%arg4 : memref<128x128xf32, #tpu.memory_space<hbm>>) dst(%arg9 : memref<128x128xf32, #tpu.memory_space<vmem>>)
      tpu.yield
    }) : () -> ()
    %mul3A_3 = arith.constant 5 : i32
    %mul3A_4 = arith.muli %arg1, %mul3A_3 : i32
    %add3A_5 = arith.constant 0 : i32
    %add3A_6 = arith.addi %mul3A_4, %add3A_5 : i32
    %mul3A_7 = arith.constant 128 : i32
    %mul3A_8 = arith.muli %add3A_6, %mul3A_7 : i32
    "tpu.region"() ({
      %run_scoped3A = tpu.sem_alloc : memref<!tpu.dma_semaphore, #tpu.memory_space<semaphore_mem>>
      %dma_start3A = arith.constant 0 : i32
      %dma_start3A_43 = tpu.memref_slice %arg6[%mul3A_8, %dma_start3A] : memref<10240x128xf32, #tpu.memory_space<vmem_shared>> -> memref<128x128xf32, #tpu.memory_space<vmem_shared>>
      %dma_start3A_44 = arith.constant 0 : i32
      %dma_start3A_45 = tpu.memref_slice %arg6[%mul3A_8, %dma_start3A_44] : memref<10240x128xf32, #tpu.memory_space<vmem_shared>> -> memref<128x128xf32, #tpu.memory_space<vmem_shared>>
      tpu.enqueue_dma source(%arg9 : memref<128x128xf32, #tpu.memory_space<vmem>>) target(%dma_start3A_45 : memref<128x128xf32, #tpu.memory_space<vmem_shared>>) target_semaphore(%run_scoped3A : memref<!tpu.dma_semaphore, #tpu.memory_space<semaphore_mem>>)
      %dma_wait3A = arith.constant 0 : i32
      %dma_wait3A_46 = tpu.memref_slice %arg6[%mul3A_8, %dma_wait3A] : memref<10240x128xf32, #tpu.memory_space<vmem_shared>> -> memref<128x128xf32, #tpu.memory_space<vmem_shared>>
      %dma_wait3A_47 = arith.constant 0 : i32
      %dma_wait3A_48 = tpu.memref_slice %arg6[%mul3A_8, %dma_wait3A_47] : memref<10240x128xf32, #tpu.memory_space<vmem_shared>> -> memref<128x128xf32, #tpu.memory_space<vmem_shared>>
      tpu.wait_dma2 semaphore(%run_scoped3A : memref<!tpu.dma_semaphore, #tpu.memory_space<semaphore_mem>>) src(%arg9 : memref<128x128xf32, #tpu.memory_space<vmem>>) dst(%dma_wait3A_48 : memref<128x128xf32, #tpu.memory_space<vmem_shared>>)
      tpu.yield
    }) : () -> ()
    %mul3A_9 = arith.constant 5 : i32
    %mul3A_10 = arith.muli %arg1, %mul3A_9 : i32
    %add3A_11 = arith.constant 1 : i32
    %add3A_12 = arith.addi %mul3A_10, %add3A_11 : i32
    %mul3A_13 = arith.constant 128 : i32
    %mul3A_14 = arith.muli %add3A_12, %mul3A_13 : i32
    "tpu.region"() ({
      %run_scoped3A = tpu.sem_alloc : memref<!tpu.dma_semaphore, #tpu.memory_space<semaphore_mem>>
      %dma_start3A = arith.constant 0 : i32
      %dma_start3A_43 = tpu.memref_slice %arg6[%mul3A_14, %dma_start3A] : memref<10240x128xf32, #tpu.memory_space<vmem_shared>> -> memref<128x128xf32, #tpu.memory_space<vmem_shared>>
      %dma_start3A_44 = arith.constant 0 : i32
      %dma_start3A_45 = tpu.memref_slice %arg6[%mul3A_14, %dma_start3A_44] : memref<10240x128xf32, #tpu.memory_space<vmem_shared>> -> memref<128x128xf32, #tpu.memory_space<vmem_shared>>
      tpu.enqueue_dma source(%arg9 : memref<128x128xf32, #tpu.memory_space<vmem>>) target(%dma_start3A_45 : memref<128x128xf32, #tpu.memory_space<vmem_shared>>) target_semaphore(%run_scoped3A : memref<!tpu.dma_semaphore, #tpu.memory_space<semaphore_mem>>)
      %dma_wait3A = arith.constant 0 : i32
      %dma_wait3A_46 = tpu.memref_slice %arg6[%mul3A_14, %dma_wait3A] : memref<10240x128xf32, #tpu.memory_space<vmem_shared>> -> memref<128x128xf32, #tpu.memory_space<vmem_shared>>
      %dma_wait3A_47 = arith.constant 0 : i32
      %dma_wait3A_48 = tpu.memref_slice %arg6[%mul3A_14, %dma_wait3A_47] : memref<10240x128xf32, #tpu.memory_space<vmem_shared>> -> memref<128x128xf32, #tpu.memory_space<vmem_shared>>
      tpu.wait_dma2 semaphore(%run_scoped3A : memref<!tpu.dma_semaphore, #tpu.memory_space<semaphore_mem>>) src(%arg9 : memref<128x128xf32, #tpu.memory_space<vmem>>) dst(%dma_wait3A_48 : memref<128x128xf32, #tpu.memory_space<vmem_shared>>)
      tpu.yield
    }) : () -> ()
    %mul3A_15 = arith.constant 5 : i32
    %mul3A_16 = arith.muli %arg1, %mul3A_15 : i32
    %add3A_17 = arith.constant 2 : i32
    %add3A_18 = arith.addi %mul3A_16, %add3A_17 : i32
    %mul3A_19 = arith.constant 128 : i32
    %mul3A_20 = arith.muli %add3A_18, %mul3A_19 : i32
    "tpu.region"() ({
      %run_scoped3A = tpu.sem_alloc : memref<!tpu.dma_semaphore, #tpu.memory_space<semaphore_mem>>
      %dma_start3A = arith.constant 0 : i32
      %dma_start3A_43 = tpu.memref_slice %arg6[%mul3A_20, %dma_start3A] : memref<10240x128xf32, #tpu.memory_space<vmem_shared>> -> memref<128x128xf32, #tpu.memory_space<vmem_shared>>
      %dma_start3A_44 = arith.constant 0 : i32
      %dma_start3A_45 = tpu.memref_slice %arg6[%mul3A_20, %dma_start3A_44] : memref<10240x128xf32, #tpu.memory_space<vmem_shared>> -> memref<128x128xf32, #tpu.memory_space<vmem_shared>>
      tpu.enqueue_dma source(%arg9 : memref<128x128xf32, #tpu.memory_space<vmem>>) target(%dma_start3A_45 : memref<128x128xf32, #tpu.memory_space<vmem_shared>>) target_semaphore(%run_scoped3A : memref<!tpu.dma_semaphore, #tpu.memory_space<semaphore_mem>>)
      %dma_wait3A = arith.constant 0 : i32
      %dma_wait3A_46 = tpu.memref_slice %arg6[%mul3A_20, %dma_wait3A] : memref<10240x128xf32, #tpu.memory_space<vmem_shared>> -> memref<128x128xf32, #tpu.memory_space<vmem_shared>>
      %dma_wait3A_47 = arith.constant 0 : i32
      %dma_wait3A_48 = tpu.memref_slice %arg6[%mul3A_20, %dma_wait3A_47] : memref<10240x128xf32, #tpu.memory_space<vmem_shared>> -> memref<128x128xf32, #tpu.memory_space<vmem_shared>>
      tpu.wait_dma2 semaphore(%run_scoped3A : memref<!tpu.dma_semaphore, #tpu.memory_space<semaphore_mem>>) src(%arg9 : memref<128x128xf32, #tpu.memory_space<vmem>>) dst(%dma_wait3A_48 : memref<128x128xf32, #tpu.memory_space<vmem_shared>>)
      tpu.yield
    }) : () -> ()
    %mul3A_21 = arith.constant 5 : i32
    %mul3A_22 = arith.muli %arg1, %mul3A_21 : i32
    %add3A_23 = arith.constant 3 : i32
    %add3A_24 = arith.addi %mul3A_22, %add3A_23 : i32
    %mul3A_25 = arith.constant 128 : i32
    %mul3A_26 = arith.muli %add3A_24, %mul3A_25 : i32
    "tpu.region"() ({
      %run_scoped3A = tpu.sem_alloc : memref<!tpu.dma_semaphore, #tpu.memory_space<semaphore_mem>>
      %dma_start3A = arith.constant 0 : i32
      %dma_start3A_43 = tpu.memref_slice %arg6[%mul3A_26, %dma_start3A] : memref<10240x128xf32, #tpu.memory_space<vmem_shared>> -> memref<128x128xf32, #tpu.memory_space<vmem_shared>>
      %dma_start3A_44 = arith.constant 0 : i32
      %dma_start3A_45 = tpu.memref_slice %arg6[%mul3A_26, %dma_start3A_44] : memref<10240x128xf32, #tpu.memory_space<vmem_shared>> -> memref<128x128xf32, #tpu.memory_space<vmem_shared>>
      tpu.enqueue_dma source(%arg9 : memref<128x128xf32, #tpu.memory_space<vmem>>) target(%dma_start3A_45 : memref<128x128xf32, #tpu.memory_space<vmem_shared>>) target_semaphore(%run_scoped3A : memref<!tpu.dma_semaphore, #tpu.memory_space<semaphore_mem>>)
      %dma_wait3A = arith.constant 0 : i32
      %dma_wait3A_46 = tpu.memref_slice %arg6[%mul3A_26, %dma_wait3A] : memref<10240x128xf32, #tpu.memory_space<vmem_shared>> -> memref<128x128xf32, #tpu.memory_space<vmem_shared>>
      %dma_wait3A_47 = arith.constant 0 : i32
      %dma_wait3A_48 = tpu.memref_slice %arg6[%mul3A_26, %dma_wait3A_47] : memref<10240x128xf32, #tpu.memory_space<vmem_shared>> -> memref<128x128xf32, #tpu.memory_space<vmem_shared>>
      tpu.wait_dma2 semaphore(%run_scoped3A : memref<!tpu.dma_semaphore, #tpu.memory_space<semaphore_mem>>) src(%arg9 : memref<128x128xf32, #tpu.memory_space<vmem>>) dst(%dma_wait3A_48 : memref<128x128xf32, #tpu.memory_space<vmem_shared>>)
      tpu.yield
    }) : () -> ()
    %mul3A_27 = arith.constant 5 : i32
    %mul3A_28 = arith.muli %arg1, %mul3A_27 : i32
    %add3A_29 = arith.constant 4 : i32
    %add3A_30 = arith.addi %mul3A_28, %add3A_29 : i32
    %mul3A_31 = arith.constant 128 : i32
    %mul3A_32 = arith.muli %add3A_30, %mul3A_31 : i32
    "tpu.region"() ({
      %run_scoped3A = tpu.sem_alloc : memref<!tpu.dma_semaphore, #tpu.memory_space<semaphore_mem>>
      %dma_start3A = arith.constant 0 : i32
      %dma_start3A_43 = tpu.memref_slice %arg6[%mul3A_32, %dma_start3A] : memref<10240x128xf32, #tpu.memory_space<vmem_shared>> -> memref<128x128xf32, #tpu.memory_space<vmem_shared>>
      %dma_start3A_44 = arith.constant 0 : i32
      %dma_start3A_45 = tpu.memref_slice %arg6[%mul3A_32, %dma_start3A_44] : memref<10240x128xf32, #tpu.memory_space<vmem_shared>> -> memref<128x128xf32, #tpu.memory_space<vmem_shared>>
      tpu.enqueue_dma source(%arg9 : memref<128x128xf32, #tpu.memory_space<vmem>>) target(%dma_start3A_45 : memref<128x128xf32, #tpu.memory_space<vmem_shared>>) target_semaphore(%run_scoped3A : memref<!tpu.dma_semaphore, #tpu.memory_space<semaphore_mem>>)
      %dma_wait3A = arith.constant 0 : i32
      %dma_wait3A_46 = tpu.memref_slice %arg6[%mul3A_32, %dma_wait3A] : memref<10240x128xf32, #tpu.memory_space<vmem_shared>> -> memref<128x128xf32, #tpu.memory_space<vmem_shared>>
      %dma_wait3A_47 = arith.constant 0 : i32
      %dma_wait3A_48 = tpu.memref_slice %arg6[%mul3A_32, %dma_wait3A_47] : memref<10240x128xf32, #tpu.memory_space<vmem_shared>> -> memref<128x128xf32, #tpu.memory_space<vmem_shared>>
      tpu.wait_dma2 semaphore(%run_scoped3A : memref<!tpu.dma_semaphore, #tpu.memory_space<semaphore_mem>>) src(%arg9 : memref<128x128xf32, #tpu.memory_space<vmem>>) dst(%dma_wait3A_48 : memref<128x128xf32, #tpu.memory_space<vmem_shared>>)
      tpu.yield
    }) : () -> ()
    "tpu.region"() ({
      %run_scoped3A = tpu.sem_alloc : memref<!tpu.dma_semaphore, #tpu.memory_space<semaphore_mem>>
      tpu.enqueue_dma source(%arg3 : memref<128x128xf32, #tpu.memory_space<hbm>>) target(%arg8 : memref<128x128xf32, #tpu.memory_space<vmem>>) target_semaphore(%run_scoped3A : memref<!tpu.dma_semaphore, #tpu.memory_space<semaphore_mem>>)
      tpu.wait_dma2 semaphore(%run_scoped3A : memref<!tpu.dma_semaphore, #tpu.memory_space<semaphore_mem>>) src(%arg3 : memref<128x128xf32, #tpu.memory_space<hbm>>) dst(%arg8 : memref<128x128xf32, #tpu.memory_space<vmem>>)
      tpu.yield
    }) : () -> ()
    %barrier3A = arith.constant 0 : index
    tpu.barrier barrier_id(%barrier3A)
    %scan3A = arith.constant 0 : i32
    %scan3A_33 = arith.constant 0 : i32
    %scan3A_34 = arith.constant 79 : i32
    %scan3A_35 = arith.addi %scan3A_33, %scan3A_34 : i32
    %scan3A_36 = arith.constant 1 : i32
    scf.for %scan3A_43 = %scan3A_33 to %scan3A_35 step %scan3A_36  : i32 {
      %mul3A_44 = arith.constant 128 : i32
      %mul3A_45 = arith.muli %scan3A_43, %mul3A_44 : i32
      %add3A_46 = arith.addi %mul3A_2, %mul3A_45 : i32
      %multiple_of3A = tpu.assume_multiple %add3A_46, 8 : i32
      "tpu.region"() ({
        %run_scoped3A = tpu.sem_alloc : memref<!tpu.dma_semaphore, #tpu.memory_space<semaphore_mem>>
        %dma_start3A = tpu.memref_slice %arg2[%multiple_of3A] : memref<323584xi32, #tpu.memory_space<hbm>> -> memref<128xi32, #tpu.memory_space<hbm>>
        %dma_start3A_47 = tpu.memref_slice %arg2[%multiple_of3A] : memref<323584xi32, #tpu.memory_space<hbm>> -> memref<128xi32, #tpu.memory_space<hbm>>
        tpu.enqueue_dma source(%dma_start3A_47 : memref<128xi32, #tpu.memory_space<hbm>>) target(%arg7 : memref<128xi32, #tpu.memory_space<vmem>>) target_semaphore(%run_scoped3A : memref<!tpu.dma_semaphore, #tpu.memory_space<semaphore_mem>>)
        %dma_wait3A = tpu.memref_slice %arg2[%multiple_of3A] : memref<323584xi32, #tpu.memory_space<hbm>> -> memref<128xi32, #tpu.memory_space<hbm>>
        %dma_wait3A_48 = tpu.memref_slice %arg2[%multiple_of3A] : memref<323584xi32, #tpu.memory_space<hbm>> -> memref<128xi32, #tpu.memory_space<hbm>>
        tpu.wait_dma2 semaphore(%run_scoped3A : memref<!tpu.dma_semaphore, #tpu.memory_space<semaphore_mem>>) src(%dma_wait3A_48 : memref<128xi32, #tpu.memory_space<hbm>>) dst(%arg7 : memref<128xi32, #tpu.memory_space<vmem>>)
        tpu.yield
      }) : () -> ()
      "tpu.region"() ({
        %run_scoped3A = tpu.sem_alloc : memref<!tpu.dma_semaphore, #tpu.memory_space<semaphore_mem>>
        %dma_start3A = arith.constant 0 : i32
        %dma_start3A_47 = arith.constant 0 : i32
        %dma_start3A_48 = tpu.memref_slice %arg6[%dma_start3A, %dma_start3A_47] : memref<10240x128xf32, #tpu.memory_space<vmem_shared>> -> memref<10240x128xf32, #tpu.memory_space<vmem_shared>>
        tpu.enqueue_indirect_dma source(%arg8 : memref<128x128xf32, #tpu.memory_space<vmem>>) target(%dma_start3A_48 : memref<10240x128xf32, #tpu.memory_space<vmem_shared>>) offsets(%arg7 : memref<128xi32, #tpu.memory_space<vmem>>) semaphore(%run_scoped3A : memref<!tpu.dma_semaphore, #tpu.memory_space<semaphore_mem>>) {add = true}
        %dma_wait3A = arith.constant 0 : i32
        %dma_wait3A_49 = arith.constant 0 : i32
        %dma_wait3A_50 = tpu.memref_slice %arg6[%dma_wait3A, %dma_wait3A_49] : memref<10240x128xf32, #tpu.memory_space<vmem_shared>> -> memref<10240x128xf32, #tpu.memory_space<vmem_shared>>
        tpu.wait_indirect_dma semaphore(%run_scoped3A : memref<!tpu.dma_semaphore, #tpu.memory_space<semaphore_mem>>) src(%arg8 : memref<128x128xf32, #tpu.memory_space<vmem>>) dst(%dma_wait3A_50 : memref<10240x128xf32, #tpu.memory_space<vmem_shared>>)
        tpu.yield
      }) : () -> ()
    }
    %scan3A_37 = arith.constant 79 : i32
    %barrier3A_38 = arith.constant 0 : index
    tpu.barrier barrier_id(%barrier3A_38)
    %mul3A_39 = arith.constant 640 : i32
    %mul3A_40 = arith.muli %arg1, %mul3A_39 : i32
    %mul3A_41 = arith.constant 640 : i32
    %mul3A_42 = arith.muli %arg1, %mul3A_41 : i32
    "tpu.region"() ({
      %run_scoped3A = tpu.sem_alloc : memref<!tpu.dma_semaphore, #tpu.memory_space<semaphore_mem>>
      %dma_start3A = arith.constant 0 : i32
      %dma_start3A_43 = tpu.memref_slice %arg5[%arg0, %mul3A_42, %dma_start3A] : memref<2x10240x128xf32, #tpu.memory_space<hbm>> -> memref<1x640x128xf32, #tpu.memory_space<hbm>>
      %dma_start3A_44 = tpu.memref_squeeze %dma_start3A_43 : memref<1x640x128xf32, #tpu.memory_space<hbm>> -> memref<640x128xf32, #tpu.memory_space<hbm>>
      %dma_start3A_45 = arith.constant 0 : i32
      %dma_start3A_46 = tpu.memref_slice %arg6[%mul3A_40, %dma_start3A_45] : memref<10240x128xf32, #tpu.memory_space<vmem_shared>> -> memref<640x128xf32, #tpu.memory_space<vmem_shared>>
      tpu.enqueue_dma source(%dma_start3A_46 : memref<640x128xf32, #tpu.memory_space<vmem_shared>>) target(%dma_start3A_44 : memref<640x128xf32, #tpu.memory_space<hbm>>) target_semaphore(%run_scoped3A : memref<!tpu.dma_semaphore, #tpu.memory_space<semaphore_mem>>)
      %dma_wait3A = arith.constant 0 : i32
      %dma_wait3A_47 = tpu.memref_slice %arg5[%arg0, %mul3A_42, %dma_wait3A] : memref<2x10240x128xf32, #tpu.memory_space<hbm>> -> memref<1x640x128xf32, #tpu.memory_space<hbm>>
      %dma_wait3A_48 = tpu.memref_squeeze %dma_wait3A_47 : memref<1x640x128xf32, #tpu.memory_space<hbm>> -> memref<640x128xf32, #tpu.memory_space<hbm>>
      %dma_wait3A_49 = arith.constant 0 : i32
      %dma_wait3A_50 = tpu.memref_slice %arg6[%mul3A_40, %dma_wait3A_49] : memref<10240x128xf32, #tpu.memory_space<vmem_shared>> -> memref<640x128xf32, #tpu.memory_space<vmem_shared>>
      tpu.wait_dma2 semaphore(%run_scoped3A : memref<!tpu.dma_semaphore, #tpu.memory_space<semaphore_mem>>) src(%dma_wait3A_50 : memref<640x128xf32, #tpu.memory_space<vmem_shared>>) dst(%dma_wait3A_48 : memref<640x128xf32, #tpu.memory_space<hbm>>)
      tpu.yield
    }) : () -> ()
    return
  }
}

#map = affine_map<(d0, d1) -> (0, 0)>
#map1 = affine_map<(d0, d1) -> (0)>
#map2 = affine_map<(d0, d1) -> (0, 0, 0)>
module attributes {stable_mosaic.version = 14 : i64} {
  func.func @_sc_scatter(%arg0: i32, %arg1: i32, %arg2: memref<10000x128xf32, #tpu.memory_space<hbm>>, %arg3: memref<323584xi32, #tpu.memory_space<hbm>>, %arg4: memref<323584xi32, #tpu.memory_space<hbm>>, %arg5: memref<128x128xf32, #tpu.memory_space<hbm>>, %arg6: memref<2x10240x128xf32, #tpu.memory_space<hbm>>, %arg7: memref<10240x128xf32, #tpu.memory_space<vmem_shared>>, %arg8: memref<128xi32, #tpu.memory_space<vmem>>, %arg9: memref<128xi32, #tpu.memory_space<vmem>>, %arg10: memref<128x128xf32, #tpu.memory_space<vmem>>, %arg11: memref<!tpu.dma_semaphore, #tpu.memory_space<semaphore_mem>>) attributes {dimension_semantics = [#tpu.dimension_semantics<core_parallel>, #tpu.dimension_semantics<subcore_parallel>], iteration_bounds = array<i64: 2, 16>, scalar_prefetch = 0 : i64, scratch_operands = 5 : i64, tpu.core_type = #tpu.core_type<sc_vector_subcore>, window_params = [{transform_indices = #map}, {transform_indices = #map1}, {transform_indices = #map1}, {transform_indices = #map}, {transform_indices = #map2}]} {
    %mul3A = arith.constant 16 : i32
    %mul3A_0 = arith.muli %arg0, %mul3A : i32
    %add3A = arith.addi %mul3A_0, %arg1 : i32
    %mul3A_1 = arith.constant 10112 : i32
    %mul3A_2 = arith.muli %add3A, %mul3A_1 : i32
    "tpu.region"() ({
      %run_scoped3A = tpu.sem_alloc : memref<!tpu.dma_semaphore, #tpu.memory_space<semaphore_mem>>
      tpu.enqueue_dma source(%arg5 : memref<128x128xf32, #tpu.memory_space<hbm>>) target(%arg10 : memref<128x128xf32, #tpu.memory_space<vmem>>) target_semaphore(%run_scoped3A : memref<!tpu.dma_semaphore, #tpu.memory_space<semaphore_mem>>)
      tpu.wait_dma2 semaphore(%run_scoped3A : memref<!tpu.dma_semaphore, #tpu.memory_space<semaphore_mem>>) src(%arg5 : memref<128x128xf32, #tpu.memory_space<hbm>>) dst(%arg10 : memref<128x128xf32, #tpu.memory_space<vmem>>)
      tpu.yield
    }) : () -> ()
    %mul3A_3 = arith.constant 5 : i32
    %mul3A_4 = arith.muli %arg1, %mul3A_3 : i32
    %add3A_5 = arith.constant 0 : i32
    %add3A_6 = arith.addi %mul3A_4, %add3A_5 : i32
    %mul3A_7 = arith.constant 128 : i32
    %mul3A_8 = arith.muli %add3A_6, %mul3A_7 : i32
    "tpu.region"() ({
      %run_scoped3A = tpu.sem_alloc : memref<!tpu.dma_semaphore, #tpu.memory_space<semaphore_mem>>
      %dma_start3A = arith.constant 0 : i32
      %dma_start3A_43 = tpu.memref_slice %arg7[%mul3A_8, %dma_start3A] : memref<10240x128xf32, #tpu.memory_space<vmem_shared>> -> memref<128x128xf32, #tpu.memory_space<vmem_shared>>
      %dma_start3A_44 = arith.constant 0 : i32
      %dma_start3A_45 = tpu.memref_slice %arg7[%mul3A_8, %dma_start3A_44] : memref<10240x128xf32, #tpu.memory_space<vmem_shared>> -> memref<128x128xf32, #tpu.memory_space<vmem_shared>>
      tpu.enqueue_dma source(%arg10 : memref<128x128xf32, #tpu.memory_space<vmem>>) target(%dma_start3A_45 : memref<128x128xf32, #tpu.memory_space<vmem_shared>>) target_semaphore(%run_scoped3A : memref<!tpu.dma_semaphore, #tpu.memory_space<semaphore_mem>>)
      %dma_wait3A = arith.constant 0 : i32
      %dma_wait3A_46 = tpu.memref_slice %arg7[%mul3A_8, %dma_wait3A] : memref<10240x128xf32, #tpu.memory_space<vmem_shared>> -> memref<128x128xf32, #tpu.memory_space<vmem_shared>>
      %dma_wait3A_47 = arith.constant 0 : i32
      %dma_wait3A_48 = tpu.memref_slice %arg7[%mul3A_8, %dma_wait3A_47] : memref<10240x128xf32, #tpu.memory_space<vmem_shared>> -> memref<128x128xf32, #tpu.memory_space<vmem_shared>>
      tpu.wait_dma2 semaphore(%run_scoped3A : memref<!tpu.dma_semaphore, #tpu.memory_space<semaphore_mem>>) src(%arg10 : memref<128x128xf32, #tpu.memory_space<vmem>>) dst(%dma_wait3A_48 : memref<128x128xf32, #tpu.memory_space<vmem_shared>>)
      tpu.yield
    }) : () -> ()
    %mul3A_9 = arith.constant 5 : i32
    %mul3A_10 = arith.muli %arg1, %mul3A_9 : i32
    %add3A_11 = arith.constant 1 : i32
    %add3A_12 = arith.addi %mul3A_10, %add3A_11 : i32
    %mul3A_13 = arith.constant 128 : i32
    %mul3A_14 = arith.muli %add3A_12, %mul3A_13 : i32
    "tpu.region"() ({
      %run_scoped3A = tpu.sem_alloc : memref<!tpu.dma_semaphore, #tpu.memory_space<semaphore_mem>>
      %dma_start3A = arith.constant 0 : i32
      %dma_start3A_43 = tpu.memref_slice %arg7[%mul3A_14, %dma_start3A] : memref<10240x128xf32, #tpu.memory_space<vmem_shared>> -> memref<128x128xf32, #tpu.memory_space<vmem_shared>>
      %dma_start3A_44 = arith.constant 0 : i32
      %dma_start3A_45 = tpu.memref_slice %arg7[%mul3A_14, %dma_start3A_44] : memref<10240x128xf32, #tpu.memory_space<vmem_shared>> -> memref<128x128xf32, #tpu.memory_space<vmem_shared>>
      tpu.enqueue_dma source(%arg10 : memref<128x128xf32, #tpu.memory_space<vmem>>) target(%dma_start3A_45 : memref<128x128xf32, #tpu.memory_space<vmem_shared>>) target_semaphore(%run_scoped3A : memref<!tpu.dma_semaphore, #tpu.memory_space<semaphore_mem>>)
      %dma_wait3A = arith.constant 0 : i32
      %dma_wait3A_46 = tpu.memref_slice %arg7[%mul3A_14, %dma_wait3A] : memref<10240x128xf32, #tpu.memory_space<vmem_shared>> -> memref<128x128xf32, #tpu.memory_space<vmem_shared>>
      %dma_wait3A_47 = arith.constant 0 : i32
      %dma_wait3A_48 = tpu.memref_slice %arg7[%mul3A_14, %dma_wait3A_47] : memref<10240x128xf32, #tpu.memory_space<vmem_shared>> -> memref<128x128xf32, #tpu.memory_space<vmem_shared>>
      tpu.wait_dma2 semaphore(%run_scoped3A : memref<!tpu.dma_semaphore, #tpu.memory_space<semaphore_mem>>) src(%arg10 : memref<128x128xf32, #tpu.memory_space<vmem>>) dst(%dma_wait3A_48 : memref<128x128xf32, #tpu.memory_space<vmem_shared>>)
      tpu.yield
    }) : () -> ()
    %mul3A_15 = arith.constant 5 : i32
    %mul3A_16 = arith.muli %arg1, %mul3A_15 : i32
    %add3A_17 = arith.constant 2 : i32
    %add3A_18 = arith.addi %mul3A_16, %add3A_17 : i32
    %mul3A_19 = arith.constant 128 : i32
    %mul3A_20 = arith.muli %add3A_18, %mul3A_19 : i32
    "tpu.region"() ({
      %run_scoped3A = tpu.sem_alloc : memref<!tpu.dma_semaphore, #tpu.memory_space<semaphore_mem>>
      %dma_start3A = arith.constant 0 : i32
      %dma_start3A_43 = tpu.memref_slice %arg7[%mul3A_20, %dma_start3A] : memref<10240x128xf32, #tpu.memory_space<vmem_shared>> -> memref<128x128xf32, #tpu.memory_space<vmem_shared>>
      %dma_start3A_44 = arith.constant 0 : i32
      %dma_start3A_45 = tpu.memref_slice %arg7[%mul3A_20, %dma_start3A_44] : memref<10240x128xf32, #tpu.memory_space<vmem_shared>> -> memref<128x128xf32, #tpu.memory_space<vmem_shared>>
      tpu.enqueue_dma source(%arg10 : memref<128x128xf32, #tpu.memory_space<vmem>>) target(%dma_start3A_45 : memref<128x128xf32, #tpu.memory_space<vmem_shared>>) target_semaphore(%run_scoped3A : memref<!tpu.dma_semaphore, #tpu.memory_space<semaphore_mem>>)
      %dma_wait3A = arith.constant 0 : i32
      %dma_wait3A_46 = tpu.memref_slice %arg7[%mul3A_20, %dma_wait3A] : memref<10240x128xf32, #tpu.memory_space<vmem_shared>> -> memref<128x128xf32, #tpu.memory_space<vmem_shared>>
      %dma_wait3A_47 = arith.constant 0 : i32
      %dma_wait3A_48 = tpu.memref_slice %arg7[%mul3A_20, %dma_wait3A_47] : memref<10240x128xf32, #tpu.memory_space<vmem_shared>> -> memref<128x128xf32, #tpu.memory_space<vmem_shared>>
      tpu.wait_dma2 semaphore(%run_scoped3A : memref<!tpu.dma_semaphore, #tpu.memory_space<semaphore_mem>>) src(%arg10 : memref<128x128xf32, #tpu.memory_space<vmem>>) dst(%dma_wait3A_48 : memref<128x128xf32, #tpu.memory_space<vmem_shared>>)
      tpu.yield
    }) : () -> ()
    %mul3A_21 = arith.constant 5 : i32
    %mul3A_22 = arith.muli %arg1, %mul3A_21 : i32
    %add3A_23 = arith.constant 3 : i32
    %add3A_24 = arith.addi %mul3A_22, %add3A_23 : i32
    %mul3A_25 = arith.constant 128 : i32
    %mul3A_26 = arith.muli %add3A_24, %mul3A_25 : i32
    "tpu.region"() ({
      %run_scoped3A = tpu.sem_alloc : memref<!tpu.dma_semaphore, #tpu.memory_space<semaphore_mem>>
      %dma_start3A = arith.constant 0 : i32
      %dma_start3A_43 = tpu.memref_slice %arg7[%mul3A_26, %dma_start3A] : memref<10240x128xf32, #tpu.memory_space<vmem_shared>> -> memref<128x128xf32, #tpu.memory_space<vmem_shared>>
      %dma_start3A_44 = arith.constant 0 : i32
      %dma_start3A_45 = tpu.memref_slice %arg7[%mul3A_26, %dma_start3A_44] : memref<10240x128xf32, #tpu.memory_space<vmem_shared>> -> memref<128x128xf32, #tpu.memory_space<vmem_shared>>
      tpu.enqueue_dma source(%arg10 : memref<128x128xf32, #tpu.memory_space<vmem>>) target(%dma_start3A_45 : memref<128x128xf32, #tpu.memory_space<vmem_shared>>) target_semaphore(%run_scoped3A : memref<!tpu.dma_semaphore, #tpu.memory_space<semaphore_mem>>)
      %dma_wait3A = arith.constant 0 : i32
      %dma_wait3A_46 = tpu.memref_slice %arg7[%mul3A_26, %dma_wait3A] : memref<10240x128xf32, #tpu.memory_space<vmem_shared>> -> memref<128x128xf32, #tpu.memory_space<vmem_shared>>
      %dma_wait3A_47 = arith.constant 0 : i32
      %dma_wait3A_48 = tpu.memref_slice %arg7[%mul3A_26, %dma_wait3A_47] : memref<10240x128xf32, #tpu.memory_space<vmem_shared>> -> memref<128x128xf32, #tpu.memory_space<vmem_shared>>
      tpu.wait_dma2 semaphore(%run_scoped3A : memref<!tpu.dma_semaphore, #tpu.memory_space<semaphore_mem>>) src(%arg10 : memref<128x128xf32, #tpu.memory_space<vmem>>) dst(%dma_wait3A_48 : memref<128x128xf32, #tpu.memory_space<vmem_shared>>)
      tpu.yield
    }) : () -> ()
    %mul3A_27 = arith.constant 5 : i32
    %mul3A_28 = arith.muli %arg1, %mul3A_27 : i32
    %add3A_29 = arith.constant 4 : i32
    %add3A_30 = arith.addi %mul3A_28, %add3A_29 : i32
    %mul3A_31 = arith.constant 128 : i32
    %mul3A_32 = arith.muli %add3A_30, %mul3A_31 : i32
    "tpu.region"() ({
      %run_scoped3A = tpu.sem_alloc : memref<!tpu.dma_semaphore, #tpu.memory_space<semaphore_mem>>
      %dma_start3A = arith.constant 0 : i32
      %dma_start3A_43 = tpu.memref_slice %arg7[%mul3A_32, %dma_start3A] : memref<10240x128xf32, #tpu.memory_space<vmem_shared>> -> memref<128x128xf32, #tpu.memory_space<vmem_shared>>
      %dma_start3A_44 = arith.constant 0 : i32
      %dma_start3A_45 = tpu.memref_slice %arg7[%mul3A_32, %dma_start3A_44] : memref<10240x128xf32, #tpu.memory_space<vmem_shared>> -> memref<128x128xf32, #tpu.memory_space<vmem_shared>>
      tpu.enqueue_dma source(%arg10 : memref<128x128xf32, #tpu.memory_space<vmem>>) target(%dma_start3A_45 : memref<128x128xf32, #tpu.memory_space<vmem_shared>>) target_semaphore(%run_scoped3A : memref<!tpu.dma_semaphore, #tpu.memory_space<semaphore_mem>>)
      %dma_wait3A = arith.constant 0 : i32
      %dma_wait3A_46 = tpu.memref_slice %arg7[%mul3A_32, %dma_wait3A] : memref<10240x128xf32, #tpu.memory_space<vmem_shared>> -> memref<128x128xf32, #tpu.memory_space<vmem_shared>>
      %dma_wait3A_47 = arith.constant 0 : i32
      %dma_wait3A_48 = tpu.memref_slice %arg7[%mul3A_32, %dma_wait3A_47] : memref<10240x128xf32, #tpu.memory_space<vmem_shared>> -> memref<128x128xf32, #tpu.memory_space<vmem_shared>>
      tpu.wait_dma2 semaphore(%run_scoped3A : memref<!tpu.dma_semaphore, #tpu.memory_space<semaphore_mem>>) src(%arg10 : memref<128x128xf32, #tpu.memory_space<vmem>>) dst(%dma_wait3A_48 : memref<128x128xf32, #tpu.memory_space<vmem_shared>>)
      tpu.yield
    }) : () -> ()
    %barrier3A = arith.constant 0 : index
    tpu.barrier barrier_id(%barrier3A)
    %scan3A = arith.constant 0 : i32
    %scan3A_33 = arith.constant 0 : i32
    %scan3A_34 = arith.constant 79 : i32
    %scan3A_35 = arith.addi %scan3A_33, %scan3A_34 : i32
    %scan3A_36 = arith.constant 1 : i32
    scf.for %scan3A_43 = %scan3A_33 to %scan3A_35 step %scan3A_36  : i32 {
      %mul3A_44 = arith.constant 128 : i32
      %mul3A_45 = arith.muli %scan3A_43, %mul3A_44 : i32
      %add3A_46 = arith.addi %mul3A_2, %mul3A_45 : i32
      %multiple_of3A = tpu.assume_multiple %add3A_46, 8 : i32
      "tpu.region"() ({
        %run_scoped3A = tpu.sem_alloc : memref<!tpu.dma_semaphore, #tpu.memory_space<semaphore_mem>>
        %dma_start3A_51 = tpu.memref_slice %arg3[%multiple_of3A] : memref<323584xi32, #tpu.memory_space<hbm>> -> memref<128xi32, #tpu.memory_space<hbm>>
        %dma_start3A_52 = tpu.memref_slice %arg3[%multiple_of3A] : memref<323584xi32, #tpu.memory_space<hbm>> -> memref<128xi32, #tpu.memory_space<hbm>>
        tpu.enqueue_dma source(%dma_start3A_52 : memref<128xi32, #tpu.memory_space<hbm>>) target(%arg8 : memref<128xi32, #tpu.memory_space<vmem>>) target_semaphore(%run_scoped3A : memref<!tpu.dma_semaphore, #tpu.memory_space<semaphore_mem>>)
        %dma_wait3A_53 = tpu.memref_slice %arg3[%multiple_of3A] : memref<323584xi32, #tpu.memory_space<hbm>> -> memref<128xi32, #tpu.memory_space<hbm>>
        %dma_wait3A_54 = tpu.memref_slice %arg3[%multiple_of3A] : memref<323584xi32, #tpu.memory_space<hbm>> -> memref<128xi32, #tpu.memory_space<hbm>>
        tpu.wait_dma2 semaphore(%run_scoped3A : memref<!tpu.dma_semaphore, #tpu.memory_space<semaphore_mem>>) src(%dma_wait3A_54 : memref<128xi32, #tpu.memory_space<hbm>>) dst(%arg8 : memref<128xi32, #tpu.memory_space<vmem>>)
        tpu.yield
      }) : () -> ()
      "tpu.region"() ({
        %run_scoped3A = tpu.sem_alloc : memref<!tpu.dma_semaphore, #tpu.memory_space<semaphore_mem>>
        %dma_start3A_51 = tpu.memref_slice %arg4[%multiple_of3A] : memref<323584xi32, #tpu.memory_space<hbm>> -> memref<128xi32, #tpu.memory_space<hbm>>
        %dma_start3A_52 = tpu.memref_slice %arg4[%multiple_of3A] : memref<323584xi32, #tpu.memory_space<hbm>> -> memref<128xi32, #tpu.memory_space<hbm>>
        tpu.enqueue_dma source(%dma_start3A_52 : memref<128xi32, #tpu.memory_space<hbm>>) target(%arg9 : memref<128xi32, #tpu.memory_space<vmem>>) target_semaphore(%run_scoped3A : memref<!tpu.dma_semaphore, #tpu.memory_space<semaphore_mem>>)
        %dma_wait3A_53 = tpu.memref_slice %arg4[%multiple_of3A] : memref<323584xi32, #tpu.memory_space<hbm>> -> memref<128xi32, #tpu.memory_space<hbm>>
        %dma_wait3A_54 = tpu.memref_slice %arg4[%multiple_of3A] : memref<323584xi32, #tpu.memory_space<hbm>> -> memref<128xi32, #tpu.memory_space<hbm>>
        tpu.wait_dma2 semaphore(%run_scoped3A : memref<!tpu.dma_semaphore, #tpu.memory_space<semaphore_mem>>) src(%dma_wait3A_54 : memref<128xi32, #tpu.memory_space<hbm>>) dst(%arg9 : memref<128xi32, #tpu.memory_space<vmem>>)
        tpu.yield
      }) : () -> ()
      %dma_start3A = arith.constant 0 : i32
      %dma_start3A_47 = arith.constant 0 : i32
      %dma_start3A_48 = tpu.memref_slice %arg2[%dma_start3A, %dma_start3A_47] : memref<10000x128xf32, #tpu.memory_space<hbm>> -> memref<10000x128xf32, #tpu.memory_space<hbm>>
      tpu.enqueue_indirect_dma source(%dma_start3A_48 : memref<10000x128xf32, #tpu.memory_space<hbm>>) target(%arg10 : memref<128x128xf32, #tpu.memory_space<vmem>>) offsets(%arg8 : memref<128xi32, #tpu.memory_space<vmem>>) semaphore(%arg11 : memref<!tpu.dma_semaphore, #tpu.memory_space<semaphore_mem>>)
      %dma_wait3A = arith.constant 0 : i32
      %dma_wait3A_49 = arith.constant 0 : i32
      %dma_wait3A_50 = tpu.memref_slice %arg2[%dma_wait3A, %dma_wait3A_49] : memref<10000x128xf32, #tpu.memory_space<hbm>> -> memref<10000x128xf32, #tpu.memory_space<hbm>>
      tpu.wait_indirect_dma semaphore(%arg11 : memref<!tpu.dma_semaphore, #tpu.memory_space<semaphore_mem>>) src(%dma_wait3A_50 : memref<10000x128xf32, #tpu.memory_space<hbm>>) dst(%arg10 : memref<128x128xf32, #tpu.memory_space<vmem>>)
      "tpu.region"() ({
        %run_scoped3A = tpu.sem_alloc : memref<!tpu.dma_semaphore, #tpu.memory_space<semaphore_mem>>
        %dma_start3A_51 = arith.constant 0 : i32
        %dma_start3A_52 = arith.constant 0 : i32
        %dma_start3A_53 = tpu.memref_slice %arg7[%dma_start3A_51, %dma_start3A_52] : memref<10240x128xf32, #tpu.memory_space<vmem_shared>> -> memref<10240x128xf32, #tpu.memory_space<vmem_shared>>
        tpu.enqueue_indirect_dma source(%arg10 : memref<128x128xf32, #tpu.memory_space<vmem>>) target(%dma_start3A_53 : memref<10240x128xf32, #tpu.memory_space<vmem_shared>>) offsets(%arg9 : memref<128xi32, #tpu.memory_space<vmem>>) semaphore(%run_scoped3A : memref<!tpu.dma_semaphore, #tpu.memory_space<semaphore_mem>>) {add = true}
        %dma_wait3A_54 = arith.constant 0 : i32
        %dma_wait3A_55 = arith.constant 0 : i32
        %dma_wait3A_56 = tpu.memref_slice %arg7[%dma_wait3A_54, %dma_wait3A_55] : memref<10240x128xf32, #tpu.memory_space<vmem_shared>> -> memref<10240x128xf32, #tpu.memory_space<vmem_shared>>
        tpu.wait_indirect_dma semaphore(%run_scoped3A : memref<!tpu.dma_semaphore, #tpu.memory_space<semaphore_mem>>) src(%arg10 : memref<128x128xf32, #tpu.memory_space<vmem>>) dst(%dma_wait3A_56 : memref<10240x128xf32, #tpu.memory_space<vmem_shared>>)
        tpu.yield
      }) : () -> ()
    }
    %scan3A_37 = arith.constant 79 : i32
    %barrier3A_38 = arith.constant 0 : index
    tpu.barrier barrier_id(%barrier3A_38)
    %mul3A_39 = arith.constant 640 : i32
    %mul3A_40 = arith.muli %arg1, %mul3A_39 : i32
    %mul3A_41 = arith.constant 640 : i32
    %mul3A_42 = arith.muli %arg1, %mul3A_41 : i32
    "tpu.region"() ({
      %run_scoped3A = tpu.sem_alloc : memref<!tpu.dma_semaphore, #tpu.memory_space<semaphore_mem>>
      %dma_start3A = arith.constant 0 : i32
      %dma_start3A_43 = tpu.memref_slice %arg6[%arg0, %mul3A_42, %dma_start3A] : memref<2x10240x128xf32, #tpu.memory_space<hbm>> -> memref<1x640x128xf32, #tpu.memory_space<hbm>>
      %dma_start3A_44 = tpu.memref_squeeze %dma_start3A_43 : memref<1x640x128xf32, #tpu.memory_space<hbm>> -> memref<640x128xf32, #tpu.memory_space<hbm>>
      %dma_start3A_45 = arith.constant 0 : i32
      %dma_start3A_46 = tpu.memref_slice %arg7[%mul3A_40, %dma_start3A_45] : memref<10240x128xf32, #tpu.memory_space<vmem_shared>> -> memref<640x128xf32, #tpu.memory_space<vmem_shared>>
      tpu.enqueue_dma source(%dma_start3A_46 : memref<640x128xf32, #tpu.memory_space<vmem_shared>>) target(%dma_start3A_44 : memref<640x128xf32, #tpu.memory_space<hbm>>) target_semaphore(%run_scoped3A : memref<!tpu.dma_semaphore, #tpu.memory_space<semaphore_mem>>)
      %dma_wait3A = arith.constant 0 : i32
      %dma_wait3A_47 = tpu.memref_slice %arg6[%arg0, %mul3A_42, %dma_wait3A] : memref<2x10240x128xf32, #tpu.memory_space<hbm>> -> memref<1x640x128xf32, #tpu.memory_space<hbm>>
      %dma_wait3A_48 = tpu.memref_squeeze %dma_wait3A_47 : memref<1x640x128xf32, #tpu.memory_space<hbm>> -> memref<640x128xf32, #tpu.memory_space<hbm>>
      %dma_wait3A_49 = arith.constant 0 : i32
      %dma_wait3A_50 = tpu.memref_slice %arg7[%mul3A_40, %dma_wait3A_49] : memref<10240x128xf32, #tpu.memory_space<vmem_shared>> -> memref<640x128xf32, #tpu.memory_space<vmem_shared>>
      tpu.wait_dma2 semaphore(%run_scoped3A : memref<!tpu.dma_semaphore, #tpu.memory_space<semaphore_mem>>) src(%dma_wait3A_50 : memref<640x128xf32, #tpu.memory_space<vmem_shared>>) dst(%dma_wait3A_48 : memref<640x128xf32, #tpu.memory_space<hbm>>)
      tpu.yield
    }) : () -> ()
    return
  }
}

module attributes {stable_mosaic.version = 14 : i64} {
  func.func @_prop_body(%arg0: i32, %arg1: memref<1000x128xf32, #tpu.memory_space<vmem>>, %arg2: memref<128x128xf32, #tpu.memory_space<vmem>>, %arg3: memref<1x128xf32, #tpu.memory_space<vmem>>, %arg4: memref<1000x128xf32, #tpu.memory_space<vmem>>) attributes {dimension_semantics = [#tpu.dimension_semantics<arbitrary>], iteration_bounds = array<i64: 10>, scalar_prefetch = 0 : i64, scratch_operands = 0 : i64, tpu.core_type = #tpu.core_type<tc>, window_params = [{transform_indices = @transform_0, window_bounds = array<i64: 1000, 128>}, {pipeline_mode = #tpu.pipeline_mode<synchronous>, transform_indices = @transform_1, window_bounds = array<i64: 128, 128>}, {pipeline_mode = #tpu.pipeline_mode<synchronous>, transform_indices = @transform_2, window_bounds = array<i64: 1, 128>}, {transform_indices = @transform_3, window_bounds = array<i64: 1000, 128>}]} {
    %get3A = arith.constant 0 : index
    %get3A_0 = arith.constant 0 : index
    %get3A_1 = vector.load %arg1[%get3A, %get3A_0] : memref<1000x128xf32, #tpu.memory_space<vmem>>, vector<1000x128xf32>
    %get3A_2 = arith.constant 0 : index
    %get3A_3 = arith.constant 0 : index
    %get3A_4 = vector.load %arg2[%get3A_2, %get3A_3] : memref<128x128xf32, #tpu.memory_space<vmem>>, vector<128x128xf32>
    %dot_general3A = arith.constant dense<0.000000e+00> : vector<1000x128xf32>
    %dot_general3A_5 = tpu.matmul %get3A_1, %get3A_4, %dot_general3A {dimension_numbers = #tpu.dot_dimension_numbers<[1], [0], [0], [1], [0, 0, 1, 1], [], []>, transpose_lhs_hint = false} : vector<1000x128xf32>, vector<128x128xf32>, vector<1000x128xf32> -> vector<1000x128xf32>
    %get3A_6 = arith.constant 0 : index
    %get3A_7 = arith.constant 0 : index
    %get3A_8 = vector.load %arg3[%get3A_6, %get3A_7] : memref<1x128xf32, #tpu.memory_space<vmem>>, vector<1x128xf32>
    %add3A = vector.broadcast %get3A_8 : vector<1x128xf32> to vector<1000x128xf32>
    %add3A_9 = arith.addf %dot_general3A_5, %add3A : vector<1000x128xf32>
    %swap3A = arith.constant 0 : index
    %swap3A_10 = arith.constant 0 : index
    %swap3A_11 = vector.load %arg4[%swap3A, %swap3A_10] : memref<1000x128xf32, #tpu.memory_space<vmem>>, vector<1000x128xf32>
    tpu.vector_store %arg4[%swap3A, %swap3A_10], %add3A_9 {strides = array<i32>} : memref<1000x128xf32, #tpu.memory_space<vmem>>, vector<1000x128xf32>,
    return
  }
  func.func @transform_0(%arg0: i32) -> (i32, i32) {
    %c0_i32 = arith.constant 0 : i32
    %c0_i32_0 = arith.constant 0 : i32
    return %arg0, %c0_i32 : i32, i32
  }
  func.func @transform_1(%arg0: i32) -> (i32, i32) {
    %c0_i32 = arith.constant 0 : i32
    %c0_i32_0 = arith.constant 0 : i32
    %c0_i32_1 = arith.constant 0 : i32
    return %c0_i32, %c0_i32_0 : i32, i32
  }
  func.func @transform_2(%arg0: i32) -> (i32, i32) {
    %c0_i32 = arith.constant 0 : i32
    %c0_i32_0 = arith.constant 0 : i32
    %c0_i32_1 = arith.constant 0 : i32
    return %c0_i32, %c0_i32_0 : i32, i32
  }
  func.func @transform_3(%arg0: i32) -> (i32, i32) {
    %c0_i32 = arith.constant 0 : i32
    %c0_i32_0 = arith.constant 0 : i32
    return %arg0, %c0_i32 : i32, i32
  }
}

module attributes {stable_mosaic.version = 14 : i64} {
  func.func @_gru_body(%arg0: i32, %arg1: memref<2x1000x128xf32, #tpu.memory_space<vmem>>, %arg2: memref<2x1000x128xf32, #tpu.memory_space<vmem>>, %arg3: memref<1000x128xf32, #tpu.memory_space<vmem>>, %arg4: memref<128x384xf32, #tpu.memory_space<vmem>>, %arg5: memref<128x384xf32, #tpu.memory_space<vmem>>, %arg6: memref<1x384xf32, #tpu.memory_space<vmem>>, %arg7: memref<1x384xf32, #tpu.memory_space<vmem>>, %arg8: memref<128x128xf32, #tpu.memory_space<vmem>>, %arg9: memref<1x128xf32, #tpu.memory_space<vmem>>, %arg10: memref<1000x128xf32, #tpu.memory_space<vmem>>, %arg11: memref<1000x128xf32, #tpu.memory_space<vmem>>) attributes {dimension_semantics = [#tpu.dimension_semantics<arbitrary>], iteration_bounds = array<i64: 10>, scalar_prefetch = 0 : i64, scratch_operands = 0 : i64, tpu.core_type = #tpu.core_type<tc>, window_params = [{transform_indices = @transform_0, window_bounds = array<i64: 2, 1000, 128>}, {transform_indices = @transform_1, window_bounds = array<i64: 2, 1000, 128>}, {transform_indices = @transform_2, window_bounds = array<i64: 1000, 128>}, {pipeline_mode = #tpu.pipeline_mode<synchronous>, transform_indices = @transform_3, window_bounds = array<i64: 128, 384>}, {pipeline_mode = #tpu.pipeline_mode<synchronous>, transform_indices = @transform_4, window_bounds = array<i64: 128, 384>}, {pipeline_mode = #tpu.pipeline_mode<synchronous>, transform_indices = @transform_5, window_bounds = array<i64: 1, 384>}, {pipeline_mode = #tpu.pipeline_mode<synchronous>, transform_indices = @transform_6, window_bounds = array<i64: 1, 384>}, {pipeline_mode = #tpu.pipeline_mode<synchronous>, transform_indices = @transform_7, window_bounds = array<i64: 128, 128>}, {pipeline_mode = #tpu.pipeline_mode<synchronous>, transform_indices = @transform_8, window_bounds = array<i64: 1, 128>}, {transform_indices = @transform_9, window_bounds = array<i64: 1000, 128>}, {transform_indices = @transform_10, window_bounds = array<i64: 1000, 128>}]} {
    %get3A = arith.constant 0 : index
    %get3A_0 = arith.constant 0 : index
    %get3A_1 = arith.constant 0 : index
    %get3A_2 = vector.load %arg1[%get3A, %get3A_0, %get3A_1] : memref<2x1000x128xf32, #tpu.memory_space<vmem>>, vector<1x1000x128xf32>
    %get3A_3 = vector.shape_cast %get3A_2 : vector<1x1000x128xf32> to vector<1000x128xf32>
    %get3A_4 = arith.constant 1 : index
    %get3A_5 = arith.constant 0 : index
    %get3A_6 = arith.constant 0 : index
    %get3A_7 = vector.load %arg1[%get3A_4, %get3A_5, %get3A_6] : memref<2x1000x128xf32, #tpu.memory_space<vmem>>, vector<1x1000x128xf32>
    %get3A_8 = vector.shape_cast %get3A_7 : vector<1x1000x128xf32> to vector<1000x128xf32>
    %add3A = arith.addf %get3A_3, %get3A_8 : vector<1000x128xf32>
    %get3A_9 = arith.constant 0 : index
    %get3A_10 = arith.constant 0 : index
    %get3A_11 = arith.constant 0 : index
    %get3A_12 = vector.load %arg2[%get3A_9, %get3A_10, %get3A_11] : memref<2x1000x128xf32, #tpu.memory_space<vmem>>, vector<1x1000x1xf32>
    %get3A_13 = vector.shape_cast %get3A_12 : vector<1x1000x1xf32> to vector<1000x1xf32>
    %get3A_14 = arith.constant 1 : index
    %get3A_15 = arith.constant 0 : index
    %get3A_16 = arith.constant 0 : index
    %get3A_17 = vector.load %arg2[%get3A_14, %get3A_15, %get3A_16] : memref<2x1000x128xf32, #tpu.memory_space<vmem>>, vector<1x1000x1xf32>
    %get3A_18 = vector.shape_cast %get3A_17 : vector<1x1000x1xf32> to vector<1000x1xf32>
    %add3A_19 = arith.addf %get3A_13, %get3A_18 : vector<1000x1xf32>
    %eq3A = arith.constant 0.000000e+00 : f32
    %eq3A_20 = vector.broadcast %eq3A : f32 to vector<1000x1xf32>
    %eq3A_21 = arith.cmpf oeq, %add3A_19, %eq3A_20 : vector<1000x1xf32>
    %jit3A = arith.constant 1.000000e+00 : f32
    %broadcast_in_dim3A = vector.broadcast %jit3A : f32 to vector<1000x1xf32>
    %select_n3A = arith.select %eq3A_21, %broadcast_in_dim3A, %add3A_19 : vector<1000x1xi1>, vector<1000x1xf32>
    %add3A_22 = arith.constant 9.99999993E-9 : f32
    %add3A_23 = vector.broadcast %add3A_22 : f32 to vector<1000x1xf32>
    %add3A_24 = arith.addf %select_n3A, %add3A_23 : vector<1000x1xf32>
    %div3A = vector.broadcast %add3A_24 : vector<1000x1xf32> to vector<1000x128xf32>
    %div3A_25 = arith.divf %add3A, %div3A : vector<1000x128xf32>
    %get3A_26 = arith.constant 0 : index
    %get3A_27 = arith.constant 0 : index
    %get3A_28 = vector.load %arg3[%get3A_26, %get3A_27] : memref<1000x128xf32, #tpu.memory_space<vmem>>, vector<1000x128xf32>
    %get3A_29 = arith.constant 0 : index
    %get3A_30 = arith.constant 0 : index
    %get3A_31 = vector.load %arg4[%get3A_29, %get3A_30] : memref<128x384xf32, #tpu.memory_space<vmem>>, vector<128x384xf32>
    %dot_general3A = arith.constant dense<0.000000e+00> : vector<1000x384xf32>
    %dot_general3A_32 = tpu.matmul %div3A_25, %get3A_31, %dot_general3A {dimension_numbers = #tpu.dot_dimension_numbers<[1], [0], [0], [1], [0, 0, 1, 1], [], []>, transpose_lhs_hint = false} : vector<1000x128xf32>, vector<128x384xf32>, vector<1000x384xf32> -> vector<1000x384xf32>
    %get3A_33 = arith.constant 0 : index
    %get3A_34 = arith.constant 0 : index
    %get3A_35 = vector.load %arg6[%get3A_33, %get3A_34] : memref<1x384xf32, #tpu.memory_space<vmem>>, vector<1x384xf32>
    %add3A_36 = vector.broadcast %get3A_35 : vector<1x384xf32> to vector<1000x384xf32>
    %add3A_37 = arith.addf %dot_general3A_32, %add3A_36 : vector<1000x384xf32>
    %get3A_38 = arith.constant 0 : index
    %get3A_39 = arith.constant 0 : index
    %get3A_40 = vector.load %arg5[%get3A_38, %get3A_39] : memref<128x384xf32, #tpu.memory_space<vmem>>, vector<128x384xf32>
    %dot_general3A_41 = arith.constant dense<0.000000e+00> : vector<1000x384xf32>
    %dot_general3A_42 = tpu.matmul %get3A_28, %get3A_40, %dot_general3A_41 {dimension_numbers = #tpu.dot_dimension_numbers<[1], [0], [0], [1], [0, 0, 1, 1], [], []>, transpose_lhs_hint = false} : vector<1000x128xf32>, vector<128x384xf32>, vector<1000x384xf32> -> vector<1000x384xf32>
    %get3A_43 = arith.constant 0 : index
    %get3A_44 = arith.constant 0 : index
    %get3A_45 = vector.load %arg7[%get3A_43, %get3A_44] : memref<1x384xf32, #tpu.memory_space<vmem>>, vector<1x384xf32>
    %add3A_46 = vector.broadcast %get3A_45 : vector<1x384xf32> to vector<1000x384xf32>
    %add3A_47 = arith.addf %dot_general3A_42, %add3A_46 : vector<1000x384xf32>
    %slice3A = vector.extract_strided_slice %add3A_37 {offsets = [0, 0], sizes = [1000, 128], strides = [1, 1]} : vector<1000x384xf32> to vector<1000x128xf32>
    %slice3A_48 = vector.extract_strided_slice %add3A_47 {offsets = [0, 0], sizes = [1000, 128], strides = [1, 1]} : vector<1000x384xf32> to vector<1000x128xf32>
    %add3A_49 = arith.addf %slice3A, %slice3A_48 : vector<1000x128xf32>
    %logistic3A = arith.negf %add3A_49 : vector<1000x128xf32>
    %logistic3A_50 = math.exp %logistic3A : vector<1000x128xf32>
    %logistic3A_51 = arith.constant 1.000000e+00 : f32
    %logistic3A_52 = vector.broadcast %logistic3A_51 : f32 to vector<1000x128xf32>
    %logistic3A_53 = arith.addf %logistic3A_52, %logistic3A_50 : vector<1000x128xf32>
    %logistic3A_54 = arith.divf %logistic3A_52, %logistic3A_53 : vector<1000x128xf32>
    %slice3A_55 = vector.extract_strided_slice %add3A_37 {offsets = [0, 128], sizes = [1000, 128], strides = [1, 1]} : vector<1000x384xf32> to vector<1000x128xf32>
    %slice3A_56 = vector.extract_strided_slice %add3A_47 {offsets = [0, 128], sizes = [1000, 128], strides = [1, 1]} : vector<1000x384xf32> to vector<1000x128xf32>
    %add3A_57 = arith.addf %slice3A_55, %slice3A_56 : vector<1000x128xf32>
    %logistic3A_58 = arith.negf %add3A_57 : vector<1000x128xf32>
    %logistic3A_59 = math.exp %logistic3A_58 : vector<1000x128xf32>
    %logistic3A_60 = arith.constant 1.000000e+00 : f32
    %logistic3A_61 = vector.broadcast %logistic3A_60 : f32 to vector<1000x128xf32>
    %logistic3A_62 = arith.addf %logistic3A_61, %logistic3A_59 : vector<1000x128xf32>
    %logistic3A_63 = arith.divf %logistic3A_61, %logistic3A_62 : vector<1000x128xf32>
    %slice3A_64 = vector.extract_strided_slice %add3A_37 {offsets = [0, 256], sizes = [1000, 128], strides = [1, 1]} : vector<1000x384xf32> to vector<1000x128xf32>
    %slice3A_65 = vector.extract_strided_slice %add3A_47 {offsets = [0, 256], sizes = [1000, 128], strides = [1, 1]} : vector<1000x384xf32> to vector<1000x128xf32>
    %mul3A = arith.mulf %logistic3A_54, %slice3A_65 : vector<1000x128xf32>
    %add3A_66 = arith.addf %slice3A_64, %mul3A : vector<1000x128xf32>
    %tanh3A = math.tanh %add3A_66 : vector<1000x128xf32>
    %sub3A = arith.constant 1.000000e+00 : f32
    %sub3A_67 = vector.broadcast %sub3A : f32 to vector<1000x128xf32>
    %sub3A_68 = arith.subf %sub3A_67, %logistic3A_63 : vector<1000x128xf32>
    %mul3A_69 = arith.mulf %sub3A_68, %tanh3A : vector<1000x128xf32>
    %mul3A_70 = arith.mulf %logistic3A_63, %get3A_28 : vector<1000x128xf32>
    %add3A_71 = arith.addf %mul3A_69, %mul3A_70 : vector<1000x128xf32>
    %swap3A = arith.constant 0 : index
    %swap3A_72 = arith.constant 0 : index
    %swap3A_73 = vector.load %arg10[%swap3A, %swap3A_72] : memref<1000x128xf32, #tpu.memory_space<vmem>>, vector<1000x128xf32>
    tpu.vector_store %arg10[%swap3A, %swap3A_72], %add3A_71 {strides = array<i32>} : memref<1000x128xf32, #tpu.memory_space<vmem>>, vector<1000x128xf32>,
    %get3A_74 = arith.constant 0 : index
    %get3A_75 = arith.constant 0 : index
    %get3A_76 = vector.load %arg8[%get3A_74, %get3A_75] : memref<128x128xf32, #tpu.memory_space<vmem>>, vector<128x128xf32>
    %dot_general3A_77 = arith.constant dense<0.000000e+00> : vector<1000x128xf32>
    %dot_general3A_78 = tpu.matmul %add3A_71, %get3A_76, %dot_general3A_77 {dimension_numbers = #tpu.dot_dimension_numbers<[1], [0], [0], [1], [0, 0, 1, 1], [], []>, transpose_lhs_hint = false} : vector<1000x128xf32>, vector<128x128xf32>, vector<1000x128xf32> -> vector<1000x128xf32>
    %get3A_79 = arith.constant 0 : index
    %get3A_80 = arith.constant 0 : index
    %get3A_81 = vector.load %arg9[%get3A_79, %get3A_80] : memref<1x128xf32, #tpu.memory_space<vmem>>, vector<1x128xf32>
    %add3A_82 = vector.broadcast %get3A_81 : vector<1x128xf32> to vector<1000x128xf32>
    %add3A_83 = arith.addf %dot_general3A_78, %add3A_82 : vector<1000x128xf32>
    %swap3A_84 = arith.constant 0 : index
    %swap3A_85 = arith.constant 0 : index
    %swap3A_86 = vector.load %arg11[%swap3A_84, %swap3A_85] : memref<1000x128xf32, #tpu.memory_space<vmem>>, vector<1000x128xf32>
    tpu.vector_store %arg11[%swap3A_84, %swap3A_85], %add3A_83 {strides = array<i32>} : memref<1000x128xf32, #tpu.memory_space<vmem>>, vector<1000x128xf32>,
    return
  }
  func.func @transform_0(%arg0: i32) -> (i32, i32, i32) {
    %c0_i32 = arith.constant 0 : i32
    %c0_i32_0 = arith.constant 0 : i32
    %c0_i32_1 = arith.constant 0 : i32
    return %c0_i32, %arg0, %c0_i32_0 : i32, i32, i32
  }
  func.func @transform_1(%arg0: i32) -> (i32, i32, i32) {
    %c0_i32 = arith.constant 0 : i32
    %c0_i32_0 = arith.constant 0 : i32
    %c0_i32_1 = arith.constant 0 : i32
    return %c0_i32, %arg0, %c0_i32_0 : i32, i32, i32
  }
  func.func @transform_2(%arg0: i32) -> (i32, i32) {
    %c0_i32 = arith.constant 0 : i32
    %c0_i32_0 = arith.constant 0 : i32
    return %arg0, %c0_i32 : i32, i32
  }
  func.func @transform_3(%arg0: i32) -> (i32, i32) {
    %c0_i32 = arith.constant 0 : i32
    %c0_i32_0 = arith.constant 0 : i32
    %c0_i32_1 = arith.constant 0 : i32
    return %c0_i32, %c0_i32_0 : i32, i32
  }
  func.func @transform_4(%arg0: i32) -> (i32, i32) {
    %c0_i32 = arith.constant 0 : i32
    %c0_i32_0 = arith.constant 0 : i32
    %c0_i32_1 = arith.constant 0 : i32
    return %c0_i32, %c0_i32_0 : i32, i32
  }
  func.func @transform_5(%arg0: i32) -> (i32, i32) {
    %c0_i32 = arith.constant 0 : i32
    %c0_i32_0 = arith.constant 0 : i32
    %c0_i32_1 = arith.constant 0 : i32
    return %c0_i32, %c0_i32_0 : i32, i32
  }
  func.func @transform_6(%arg0: i32) -> (i32, i32) {
    %c0_i32 = arith.constant 0 : i32
    %c0_i32_0 = arith.constant 0 : i32
    %c0_i32_1 = arith.constant 0 : i32
    return %c0_i32, %c0_i32_0 : i32, i32
  }
  func.func @transform_7(%arg0: i32) -> (i32, i32) {
    %c0_i32 = arith.constant 0 : i32
    %c0_i32_0 = arith.constant 0 : i32
    %c0_i32_1 = arith.constant 0 : i32
    return %c0_i32, %c0_i32_0 : i32, i32
  }
  func.func @transform_8(%arg0: i32) -> (i32, i32) {
    %c0_i32 = arith.constant 0 : i32
    %c0_i32_0 = arith.constant 0 : i32
    %c0_i32_1 = arith.constant 0 : i32
    return %c0_i32, %c0_i32_0 : i32, i32
  }
  func.func @transform_9(%arg0: i32) -> (i32, i32) {
    %c0_i32 = arith.constant 0 : i32
    %c0_i32_0 = arith.constant 0 : i32
    return %arg0, %c0_i32 : i32, i32
  }
  func.func @transform_10(%arg0: i32) -> (i32, i32) {
    %c0_i32 = arith.constant 0 : i32
    %c0_i32_0 = arith.constant 0 : i32
    return %arg0, %c0_i32 : i32, i32
  }
}

module attributes {stable_mosaic.version = 14 : i64} {
  func.func @_gru_body(%arg0: i32, %arg1: memref<2x1000x128xf32, #tpu.memory_space<vmem>>, %arg2: memref<2x1000x128xf32, #tpu.memory_space<vmem>>, %arg3: memref<1000x128xf32, #tpu.memory_space<vmem>>, %arg4: memref<128x384xf32, #tpu.memory_space<vmem>>, %arg5: memref<128x384xf32, #tpu.memory_space<vmem>>, %arg6: memref<1x384xf32, #tpu.memory_space<vmem>>, %arg7: memref<1x384xf32, #tpu.memory_space<vmem>>, %arg8: memref<128x128xf32, #tpu.memory_space<vmem>>, %arg9: memref<1x128xf32, #tpu.memory_space<vmem>>, %arg10: memref<1000x128xf32, #tpu.memory_space<vmem>>, %arg11: memref<1000x128xf32, #tpu.memory_space<vmem>>) attributes {dimension_semantics = [#tpu.dimension_semantics<arbitrary>], iteration_bounds = array<i64: 10>, scalar_prefetch = 0 : i64, scratch_operands = 0 : i64, tpu.core_type = #tpu.core_type<tc>, window_params = [{transform_indices = @transform_0, window_bounds = array<i64: 2, 1000, 128>}, {transform_indices = @transform_1, window_bounds = array<i64: 2, 1000, 128>}, {transform_indices = @transform_2, window_bounds = array<i64: 1000, 128>}, {pipeline_mode = #tpu.pipeline_mode<synchronous>, transform_indices = @transform_3, window_bounds = array<i64: 128, 384>}, {pipeline_mode = #tpu.pipeline_mode<synchronous>, transform_indices = @transform_4, window_bounds = array<i64: 128, 384>}, {pipeline_mode = #tpu.pipeline_mode<synchronous>, transform_indices = @transform_5, window_bounds = array<i64: 1, 384>}, {pipeline_mode = #tpu.pipeline_mode<synchronous>, transform_indices = @transform_6, window_bounds = array<i64: 1, 384>}, {pipeline_mode = #tpu.pipeline_mode<synchronous>, transform_indices = @transform_7, window_bounds = array<i64: 128, 128>}, {pipeline_mode = #tpu.pipeline_mode<synchronous>, transform_indices = @transform_8, window_bounds = array<i64: 1, 128>}, {transform_indices = @transform_9, window_bounds = array<i64: 1000, 128>}, {transform_indices = @transform_10, window_bounds = array<i64: 1000, 128>}]} {
    %get3A = arith.constant 0 : index
    %get3A_0 = arith.constant 0 : index
    %get3A_1 = arith.constant 0 : index
    %get3A_2 = vector.load %arg1[%get3A, %get3A_0, %get3A_1] : memref<2x1000x128xf32, #tpu.memory_space<vmem>>, vector<1x1000x128xf32>
    %get3A_3 = vector.shape_cast %get3A_2 : vector<1x1000x128xf32> to vector<1000x128xf32>
    %get3A_4 = arith.constant 1 : index
    %get3A_5 = arith.constant 0 : index
    %get3A_6 = arith.constant 0 : index
    %get3A_7 = vector.load %arg1[%get3A_4, %get3A_5, %get3A_6] : memref<2x1000x128xf32, #tpu.memory_space<vmem>>, vector<1x1000x128xf32>
    %get3A_8 = vector.shape_cast %get3A_7 : vector<1x1000x128xf32> to vector<1000x128xf32>
    %add3A = arith.addf %get3A_3, %get3A_8 : vector<1000x128xf32>
    %get3A_9 = arith.constant 0 : index
    %get3A_10 = arith.constant 0 : index
    %get3A_11 = arith.constant 0 : index
    %get3A_12 = vector.load %arg2[%get3A_9, %get3A_10, %get3A_11] : memref<2x1000x128xf32, #tpu.memory_space<vmem>>, vector<1x1000x1xf32>
    %get3A_13 = vector.shape_cast %get3A_12 : vector<1x1000x1xf32> to vector<1000x1xf32>
    %get3A_14 = arith.constant 1 : index
    %get3A_15 = arith.constant 0 : index
    %get3A_16 = arith.constant 0 : index
    %get3A_17 = vector.load %arg2[%get3A_14, %get3A_15, %get3A_16] : memref<2x1000x128xf32, #tpu.memory_space<vmem>>, vector<1x1000x1xf32>
    %get3A_18 = vector.shape_cast %get3A_17 : vector<1x1000x1xf32> to vector<1000x1xf32>
    %add3A_19 = arith.addf %get3A_13, %get3A_18 : vector<1000x1xf32>
    %eq3A = arith.constant 0.000000e+00 : f32
    %eq3A_20 = vector.broadcast %eq3A : f32 to vector<1000x1xf32>
    %eq3A_21 = arith.cmpf oeq, %add3A_19, %eq3A_20 : vector<1000x1xf32>
    %jit3A = arith.constant 1.000000e+00 : f32
    %broadcast_in_dim3A = vector.broadcast %jit3A : f32 to vector<1000x1xf32>
    %select_n3A = arith.select %eq3A_21, %broadcast_in_dim3A, %add3A_19 : vector<1000x1xi1>, vector<1000x1xf32>
    %add3A_22 = arith.constant 9.99999993E-9 : f32
    %add3A_23 = vector.broadcast %add3A_22 : f32 to vector<1000x1xf32>
    %add3A_24 = arith.addf %select_n3A, %add3A_23 : vector<1000x1xf32>
    %div3A = vector.broadcast %add3A_24 : vector<1000x1xf32> to vector<1000x128xf32>
    %div3A_25 = arith.divf %add3A, %div3A : vector<1000x128xf32>
    %get3A_26 = arith.constant 0 : index
    %get3A_27 = arith.constant 0 : index
    %get3A_28 = vector.load %arg3[%get3A_26, %get3A_27] : memref<1000x128xf32, #tpu.memory_space<vmem>>, vector<1000x128xf32>
    %get3A_29 = arith.constant 0 : index
    %get3A_30 = arith.constant 0 : index
    %get3A_31 = vector.load %arg4[%get3A_29, %get3A_30] : memref<128x384xf32, #tpu.memory_space<vmem>>, vector<128x384xf32>
    %dot_general3A = arith.constant dense<0.000000e+00> : vector<1000x384xf32>
    %dot_general3A_32 = tpu.matmul %div3A_25, %get3A_31, %dot_general3A {dimension_numbers = #tpu.dot_dimension_numbers<[1], [0], [0], [1], [0, 0, 1, 1], [], []>, transpose_lhs_hint = false} : vector<1000x128xf32>, vector<128x384xf32>, vector<1000x384xf32> -> vector<1000x384xf32>
    %get3A_33 = arith.constant 0 : index
    %get3A_34 = arith.constant 0 : index
    %get3A_35 = vector.load %arg6[%get3A_33, %get3A_34] : memref<1x384xf32, #tpu.memory_space<vmem>>, vector<1x384xf32>
    %add3A_36 = vector.broadcast %get3A_35 : vector<1x384xf32> to vector<1000x384xf32>
    %add3A_37 = arith.addf %dot_general3A_32, %add3A_36 : vector<1000x384xf32>
    %get3A_38 = arith.constant 0 : index
    %get3A_39 = arith.constant 0 : index
    %get3A_40 = vector.load %arg5[%get3A_38, %get3A_39] : memref<128x384xf32, #tpu.memory_space<vmem>>, vector<128x384xf32>
    %dot_general3A_41 = arith.constant dense<0.000000e+00> : vector<1000x384xf32>
    %dot_general3A_42 = tpu.matmul %get3A_28, %get3A_40, %dot_general3A_41 {dimension_numbers = #tpu.dot_dimension_numbers<[1], [0], [0], [1], [0, 0, 1, 1], [], []>, transpose_lhs_hint = false} : vector<1000x128xf32>, vector<128x384xf32>, vector<1000x384xf32> -> vector<1000x384xf32>
    %get3A_43 = arith.constant 0 : index
    %get3A_44 = arith.constant 0 : index
    %get3A_45 = vector.load %arg7[%get3A_43, %get3A_44] : memref<1x384xf32, #tpu.memory_space<vmem>>, vector<1x384xf32>
    %add3A_46 = vector.broadcast %get3A_45 : vector<1x384xf32> to vector<1000x384xf32>
    %add3A_47 = arith.addf %dot_general3A_42, %add3A_46 : vector<1000x384xf32>
    %slice3A = vector.extract_strided_slice %add3A_37 {offsets = [0, 0], sizes = [1000, 128], strides = [1, 1]} : vector<1000x384xf32> to vector<1000x128xf32>
    %slice3A_48 = vector.extract_strided_slice %add3A_47 {offsets = [0, 0], sizes = [1000, 128], strides = [1, 1]} : vector<1000x384xf32> to vector<1000x128xf32>
    %add3A_49 = arith.addf %slice3A, %slice3A_48 : vector<1000x128xf32>
    %logistic3A = arith.negf %add3A_49 : vector<1000x128xf32>
    %logistic3A_50 = math.exp %logistic3A : vector<1000x128xf32>
    %logistic3A_51 = arith.constant 1.000000e+00 : f32
    %logistic3A_52 = vector.broadcast %logistic3A_51 : f32 to vector<1000x128xf32>
    %logistic3A_53 = arith.addf %logistic3A_52, %logistic3A_50 : vector<1000x128xf32>
    %logistic3A_54 = arith.divf %logistic3A_52, %logistic3A_53 : vector<1000x128xf32>
    %slice3A_55 = vector.extract_strided_slice %add3A_37 {offsets = [0, 128], sizes = [1000, 128], strides = [1, 1]} : vector<1000x384xf32> to vector<1000x128xf32>
    %slice3A_56 = vector.extract_strided_slice %add3A_47 {offsets = [0, 128], sizes = [1000, 128], strides = [1, 1]} : vector<1000x384xf32> to vector<1000x128xf32>
    %add3A_57 = arith.addf %slice3A_55, %slice3A_56 : vector<1000x128xf32>
    %logistic3A_58 = arith.negf %add3A_57 : vector<1000x128xf32>
    %logistic3A_59 = math.exp %logistic3A_58 : vector<1000x128xf32>
    %logistic3A_60 = arith.constant 1.000000e+00 : f32
    %logistic3A_61 = vector.broadcast %logistic3A_60 : f32 to vector<1000x128xf32>
    %logistic3A_62 = arith.addf %logistic3A_61, %logistic3A_59 : vector<1000x128xf32>
    %logistic3A_63 = arith.divf %logistic3A_61, %logistic3A_62 : vector<1000x128xf32>
    %slice3A_64 = vector.extract_strided_slice %add3A_37 {offsets = [0, 256], sizes = [1000, 128], strides = [1, 1]} : vector<1000x384xf32> to vector<1000x128xf32>
    %slice3A_65 = vector.extract_strided_slice %add3A_47 {offsets = [0, 256], sizes = [1000, 128], strides = [1, 1]} : vector<1000x384xf32> to vector<1000x128xf32>
    %mul3A = arith.mulf %logistic3A_54, %slice3A_65 : vector<1000x128xf32>
    %add3A_66 = arith.addf %slice3A_64, %mul3A : vector<1000x128xf32>
    %tanh3A = math.tanh %add3A_66 : vector<1000x128xf32>
    %sub3A = arith.constant 1.000000e+00 : f32
    %sub3A_67 = vector.broadcast %sub3A : f32 to vector<1000x128xf32>
    %sub3A_68 = arith.subf %sub3A_67, %logistic3A_63 : vector<1000x128xf32>
    %mul3A_69 = arith.mulf %sub3A_68, %tanh3A : vector<1000x128xf32>
    %mul3A_70 = arith.mulf %logistic3A_63, %get3A_28 : vector<1000x128xf32>
    %add3A_71 = arith.addf %mul3A_69, %mul3A_70 : vector<1000x128xf32>
    %swap3A = arith.constant 0 : index
    %swap3A_72 = arith.constant 0 : index
    %swap3A_73 = vector.load %arg10[%swap3A, %swap3A_72] : memref<1000x128xf32, #tpu.memory_space<vmem>>, vector<1000x128xf32>
    tpu.vector_store %arg10[%swap3A, %swap3A_72], %add3A_71 {strides = array<i32>} : memref<1000x128xf32, #tpu.memory_space<vmem>>, vector<1000x128xf32>,
    %get3A_74 = arith.constant 0 : index
    %get3A_75 = arith.constant 0 : index
    %get3A_76 = vector.load %arg8[%get3A_74, %get3A_75] : memref<128x128xf32, #tpu.memory_space<vmem>>, vector<128x128xf32>
    %dot_general3A_77 = arith.constant dense<0.000000e+00> : vector<1000x128xf32>
    %dot_general3A_78 = tpu.matmul %add3A_71, %get3A_76, %dot_general3A_77 {dimension_numbers = #tpu.dot_dimension_numbers<[1], [0], [0], [1], [0, 0, 1, 1], [], []>, transpose_lhs_hint = false} : vector<1000x128xf32>, vector<128x128xf32>, vector<1000x128xf32> -> vector<1000x128xf32>
    %get3A_79 = arith.constant 0 : index
    %get3A_80 = arith.constant 0 : index
    %get3A_81 = vector.load %arg9[%get3A_79, %get3A_80] : memref<1x128xf32, #tpu.memory_space<vmem>>, vector<1x128xf32>
    %add3A_82 = vector.broadcast %get3A_81 : vector<1x128xf32> to vector<1000x128xf32>
    %add3A_83 = arith.addf %dot_general3A_78, %add3A_82 : vector<1000x128xf32>
    %swap3A_84 = arith.constant 0 : index
    %swap3A_85 = arith.constant 0 : index
    %swap3A_86 = vector.load %arg11[%swap3A_84, %swap3A_85] : memref<1000x128xf32, #tpu.memory_space<vmem>>, vector<1000x128xf32>
    tpu.vector_store %arg11[%swap3A_84, %swap3A_85], %add3A_83 {strides = array<i32>} : memref<1000x128xf32, #tpu.memory_space<vmem>>, vector<1000x128xf32>,
    return
  }
  func.func @transform_0(%arg0: i32) -> (i32, i32, i32) {
    %c0_i32 = arith.constant 0 : i32
    %c0_i32_0 = arith.constant 0 : i32
    %c0_i32_1 = arith.constant 0 : i32
    return %c0_i32, %arg0, %c0_i32_0 : i32, i32, i32
  }
  func.func @transform_1(%arg0: i32) -> (i32, i32, i32) {
    %c0_i32 = arith.constant 0 : i32
    %c0_i32_0 = arith.constant 0 : i32
    %c0_i32_1 = arith.constant 0 : i32
    return %c0_i32, %arg0, %c0_i32_0 : i32, i32, i32
  }
  func.func @transform_2(%arg0: i32) -> (i32, i32) {
    %c0_i32 = arith.constant 0 : i32
    %c0_i32_0 = arith.constant 0 : i32
    return %arg0, %c0_i32 : i32, i32
  }
  func.func @transform_3(%arg0: i32) -> (i32, i32) {
    %c0_i32 = arith.constant 0 : i32
    %c0_i32_0 = arith.constant 0 : i32
    %c0_i32_1 = arith.constant 0 : i32
    return %c0_i32, %c0_i32_0 : i32, i32
  }
  func.func @transform_4(%arg0: i32) -> (i32, i32) {
    %c0_i32 = arith.constant 0 : i32
    %c0_i32_0 = arith.constant 0 : i32
    %c0_i32_1 = arith.constant 0 : i32
    return %c0_i32, %c0_i32_0 : i32, i32
  }
  func.func @transform_5(%arg0: i32) -> (i32, i32) {
    %c0_i32 = arith.constant 0 : i32
    %c0_i32_0 = arith.constant 0 : i32
    %c0_i32_1 = arith.constant 0 : i32
    return %c0_i32, %c0_i32_0 : i32, i32
  }
  func.func @transform_6(%arg0: i32) -> (i32, i32) {
    %c0_i32 = arith.constant 0 : i32
    %c0_i32_0 = arith.constant 0 : i32
    %c0_i32_1 = arith.constant 0 : i32
    return %c0_i32, %c0_i32_0 : i32, i32
  }
  func.func @transform_7(%arg0: i32) -> (i32, i32) {
    %c0_i32 = arith.constant 0 : i32
    %c0_i32_0 = arith.constant 0 : i32
    %c0_i32_1 = arith.constant 0 : i32
    return %c0_i32, %c0_i32_0 : i32, i32
  }
  func.func @transform_8(%arg0: i32) -> (i32, i32) {
    %c0_i32 = arith.constant 0 : i32
    %c0_i32_0 = arith.constant 0 : i32
    %c0_i32_1 = arith.constant 0 : i32
    return %c0_i32, %c0_i32_0 : i32, i32
  }
  func.func @transform_9(%arg0: i32) -> (i32, i32) {
    %c0_i32 = arith.constant 0 : i32
    %c0_i32_0 = arith.constant 0 : i32
    return %arg0, %c0_i32 : i32, i32
  }
  func.func @transform_10(%arg0: i32) -> (i32, i32) {
    %c0_i32 = arith.constant 0 : i32
    %c0_i32_0 = arith.constant 0 : i32
    return %arg0, %c0_i32 : i32, i32
  }
}

</mosaic_0001>

<sc_bundles>
// kernel: kernel.10.cloned.1.call-start
scs
__scs_entry_jumppad:
0x0: {  	(pc) =	sbr.rel $0x88, $3  }
0x1: {  	(tag) =	ssettag $0x0;
	lr =	simm.s32 $0x1  }
0x2: {  	[smem:$0x3F99] =	sst lr;
	_ =	strace $0xD0000000  }
0x3: {  	_ = 	snop  }
0x4: {  	_ = 	snop  }
0x5: {  	_ = 	snop  }
0x6: {  	_ = 	snop  }
0x7: {  	_ = 	snop  }
__scs_overlays_trampoline_lowered:
0x8: {  	[smem:$0x3FA8] =	sst s0  }
0x9: {  	[smem:$0x3FA9] =	sst s1  }
0xa: {  	[smem:$0x3FAA] =	sst s2  }
0xb: {  	[smem:$0x3FAB] =	sst s3  }
0xc: {  	[smem:$0x3FAC] =	sst s4  }
0xd: {  	[smem:$0x3FAD] =	sst s5  }
0xe: {  	[smem:$0x3FAE] =	sst s6  }
0xf: {  	[smem:$0x3FAF] =	sst s7  }
0x10: {  	[smem:$0x3FB0] =	sst s8  }
0x11: {  	[smem:$0x3FB1] =	sst s9;
	s0 =	simm.s32 @!p0 $0x0  }
0x12: {  	s1 =	sld [smem:$0x3F97];
	s0 =	simm.s32 @p0 $0x1  }
0x13: {  	[smem:$0x3FB2] =	sst s0;
	s0 =	simm.s32 @!p1 $0x0  }
0x14: {  	s2 =	sld [smem:$0x3F96];
	s0 =	simm.s32 @p1 $0x1  }
0x15: {  	[smem:$0x3FB3] =	sst s0;
	s0 =	simm.s32 @!p2 $0x0  }
0x16: {  	s3 =	sld [smem:$0x3FDB];
	s0 =	simm.s32 @p2 $0x1  }
0x17: {  	s4 =	simm.s32 $0x1BF5;
	[smem:$0x3FB5] =	sst s0  }
0x18: {  	s0 =	sld [smem:$0x3F98];
	_ =	swait.ge [sflag:s4], $0x0  }
0x19: {  	s7 =	sld [smem:$0x3F99]  }
0x1a: {  	s8 =	sadd.s32 $0xFFFFE003, lr  }
0x1b: {  	s9 =	sadd.s32 $0xFFFFFEF7, lr;
	s5 =	simm.s32 $0xFFFFFFFF;
	p2 =	slt.u32 s8, $0xFFFFF086  }
0x1c: {  	p1 =	slt.u32 s9, $0xF7A;
	s5 =	simm.s32 @!p2 $0x0  }
0x1d: {  	s5 =	simm.s32 @p1 $0x1;
	p0 =	seq.s32 s7, s2  }
0x1e: {  	s7 =	smul.u32 @!p0 $0xF7A, s2;
	p2 =	seq.s32 @!p0 s5, $0x0  }
0x1f: {  	s9 =	smul.u32 $0xF7A, s1;
	s8 =	simm.s32 @!p0 $0x1BF5;
	p2 =	por !p2, p0  }
0x20: {  	[sflag:s8] =	ssyncset.s32 @!p0 $0xFFFFF086;
	s6 =	sadd.s32 @!p0 s3, s7;
	s7 =	simm.s32 @!p0 $0x108  }
0x21: {  	s3 =	sadd.s32 s3, s9;
	s6 =	sadd.s32 @!p0 $0x88, s6;
	s7 =	simm.s32 @p2 $0x1082  }
0x22: {  	[simem:s7], [sflag:s8] =	dma.local @!p0 [hbm:s6], $0xF7A  }
0x23: {  	s9 =	sor.u32 $0xD0000000, s2;
	s6 =	simm.s32 $0x108;
	_ =	swait.ge @!p0 [sflag:s8], $0x0  }
0x24: {  	s3 =	sadd.s32 $0x88, s3;
	s6 =	simm.s32 @!p1 $0x1082;
	[sflag:s4] =	ssyncset.s32 $0xFFFFF086  }
0x25: {  	[simem:s6], [sflag:s4] =	dma.local [hbm:s3], $0xF7A  }
0x26: {  	[smem:$0x3F99] =	sst s1;
	(tag) =	ssettag s2;
	_ =	strace s9  }
0x27: {  	s1 =	sld [smem:$0x3FA9]  }
0x28: {  	s2 =	sld [smem:$0x3FAA]  }
0x29: {  	s4 =	sld [smem:$0x3FAC]  }
0x2a: {  	p0 =	seq.s32 s5, $0x0;
	s5 =	sld [smem:$0x3FAD]  }
0x2b: {  	s6 =	sld [smem:$0x3FAE]  }
0x2c: {  	s7 =	sld [smem:$0x3FAF]  }
0x2d: {  	s3 =	simm.s32 $0x108;
	s8 =	sld [smem:$0x3FB0]  }
0x2e: {  	s3 =	simm.s32 @!p0 $0x1082;
	s9 =	sld [smem:$0x3FB1]  }
0x2f: {  	lr =	sadd.s32 s0, s3;
	s0 =	sld [smem:$0x3FA8]  }
0x30: {  	s3 =	sld [smem:$0x3FAB]  }
0x31: {  	[smem:$0x3FB4] =	sst s10  }
0x32: {  	s10 =	sld [smem:$0x3FB2];
	_ =	sdelay $0x3  }
0x33: {  	p0 =	seq.s32 s10, $0x1;
	s10 =	sld [smem:$0x3FB4];
	_ =	sdelay $0x3  }
0x34: {  	[smem:$0x3FB4] =	sst s10  }
0x35: {  	s10 =	sld [smem:$0x3FB3];
	_ =	sdelay $0x3  }
0x36: {  	p1 =	seq.s32 s10, $0x1;
	s10 =	sld [smem:$0x3FB4];
	_ =	sdelay $0x3  }
0x37: {  	[smem:$0x3FB4] =	sst s10  }
0x38: {  	s10 =	sld [smem:$0x3FB5]  }
0x39: {  	_ = 	snop;
	(pc) =	sbr.ind lr, $3  }
0x3a: {  	_ = 	snop  }
0x3b: {  	_ = 	snop  }
0x3c: {  	p2 =	seq.s32 s10, $0x1;
	s10 =	sld [smem:$0x3FB4]  }
0x3d: {  	_ =	shalt  }
0x3e: {  	_ =	shalt  }
0x3f: {  	_ =	shalt  }
0x40: {  	_ =	shalt  }
0x41: {  	_ =	shalt  }
0x42: {  	_ =	shalt  }
0x43: {  	_ =	shalt  }
0x44: {  	_ =	shalt  }
0x45: {  	_ =	shalt  }
0x46: {  	_ =	shalt  }
0x47: {  	_ =	shalt  }
0x48: {  	_ =	shalt  }
0x49: {  	_ =	shalt  }
0x4a: {  	_ =	shalt  }
0x4b: {  	_ =	shalt  }
0x4c: {  	_ =	shalt  }
0x4d: {  	_ =	shalt  }
0x4e: {  	_ =	shalt  }
0x4f: {  	_ =	shalt  }
0x50: {  	_ =	shalt  }
0x51: {  	_ =	shalt  }
0x52: {  	_ =	shalt  }
0x53: {  	_ =	shalt  }
0x54: {  	_ =	shalt  }
0x55: {  	_ =	shalt  }
0x56: {  	_ =	shalt  }
0x57: {  	_ =	shalt  }
0x58: {  	_ =	shalt  }
0x59: {  	_ =	shalt  }
0x5a: {  	_ =	shalt  }
0x5b: {  	_ =	shalt  }
0x5c: {  	_ =	shalt  }
0x5d: {  	_ =	shalt  }
0x5e: {  	_ =	shalt  }
0x5f: {  	_ =	shalt  }
0x60: {  	_ =	shalt  }
0x61: {  	_ =	shalt  }
0x62: {  	_ =	shalt  }
0x63: {  	_ =	shalt  }
0x64: {  	_ =	shalt  }
0x65: {  	_ =	shalt  }
0x66: {  	_ =	shalt  }
0x67: {  	_ =	shalt  }
0x68: {  	_ =	shalt  }
0x69: {  	_ =	shalt  }
0x6a: {  	_ =	shalt  }
0x6b: {  	_ =	shalt  }
0x6c: {  	_ =	shalt  }
0x6d: {  	_ =	shalt  }
0x6e: {  	_ =	shalt  }
0x6f: {  	_ =	shalt  }
0x70: {  	_ =	shalt  }
0x71: {  	_ =	shalt  }
0x72: {  	_ =	shalt  }
0x73: {  	_ =	shalt  }
0x74: {  	_ =	shalt  }
0x75: {  	_ =	shalt  }
0x76: {  	_ =	shalt  }
0x77: {  	_ =	shalt  }
0x78: {  	_ =	shalt  }
0x79: {  	_ =	shalt  }
0x7a: {  	_ =	shalt  }
0x7b: {  	_ =	shalt  }
0x7c: {  	_ =	shalt  }
0x7d: {  	_ =	shalt  }
0x7e: {  	_ =	shalt  }
0x7f: {  	_ =	shalt  }
0x80: {  	_ =	shalt  }
0x81: {  	_ =	shalt  }
0x82: {  	_ =	shalt  }
0x83: {  	_ =	shalt  }
0x84: {  	_ =	shalt  }
0x85: {  	_ =	shalt  }
0x86: {  	_ =	shalt  }
0x87: {  	_ =	shalt  }
.Lfunc_end0:
.L_simem_size_0:
called_computation_lowered:
.L_overlay_start_0:
0x88: {  	s2 =	sld [smem:$0x3FD9]  }
0x89: {  	s3 =	sld [smem:$0x3FFE];
	_ =	sdelay $0x1  }
0x8a: {  	s1 =	srdreg.scid  }
0x8b: {  	s0 =	sand.u32 $0x1, s1  }
0x8c: {  	s17 =	sshll.u32 s0, $0xA;
	s2 =	sadd.s32 s3, s2  }
0x8d: {  	s2 =	sadd.s32 s2, s17  }
0x8e: {  	[smem:$0x3FC0] =	sst s2  }
0x8f: {  	_ = 	snop  }
0x90: {  	(tm) =	ssettm $0x1  }
0x91: {  	s18 =	sld [smem:$0x3FFB];
	_ =	sdelay $0x3  }
0x92: {  	_ =	strace s18  }
0x93: {  	s2 =	sld [smem:$0x3FFC];
	_ =	sdelay $0x3  }
0x94: {  	_ =	strace s2  }
0x95: {  	s2 =	sld [smem:$0x3FFD];
	_ =	sdelay $0x3  }
0x96: {  	_ =	strace s2  }
0x97: {  	_ =	strace $0x8FFFFFFF  }
0x98: {  	s19 =	sld [smem:$0x3FDB];
	_ =	sdelay $0x1  }
0x99: {  	s20 =	simm.s32 $_scs_section_size  }
0x9a: {  	s4 =	simm.s32 $_size__tile_overlayer_lowered;
	s5 =	simm.s32 $_tile_overlayer_lowered  }
0x9b: {  	s6 =	simm.s32 $0x1BFF;
	s21 =	sshll.u32 s5, $0x1;
	s3 =	sadd.s32 s20, s19  }
0x9c: {  	s22 =	simm.s32 $0x0;
	s4 =	sshll.u32 s4, $0x1;
	s5 =	sadd.s32 s21, s3  }
0x9d: {  	[timem:s22], [sflag:s6] =	dma.local [hbm:s5], s4  }
0x9e: {  	_ =	swait.ge [sflag:s6], s4  }
0x9f: {  	s4 =	ssub.s32 $0x0, s4;
	[sflag:s6] =	ssyncset.done $0x0  }
0xa0: {  	[sflag:s6] =	ssyncadd.s32 s4;
	_ =	sdelay $0x1  }
0xa1: {  	s23 =	simm.s32 $0x1B8B  }
0xa2: {  	_ =	swait.ge [sflag:s23], $0x1  }
0xa3: {  	[sflag:s23] =	ssyncset.done $0x0  }
0xa4: {  	[sflag:s23] =	ssyncadd.s32 $0xFFFFFFFF  }
0xa5: {  	s4 =	sld [smem:$0x0]  }
0xa6: {  	s5 =	sand.u32 $0xFFFFFFFE, s1  }
0xa7: {  	p0 =	sne.s32 s1, s5  }
0xa8: {  	s5 =	sshll.u32 @p0 s5, $0xE  }
0xa9: {  	s5 =	sadd.s32 @p0 $0x11B8D, s5;
	s6 =	sshll.u32 @p0 s4, $0x11  }
0xaa: {  	s5 =	sor.u32 @p0 s6, s5  }
0xab: {  	[sflag:s5] =	ssyncadd.remote.s32 @p0 $0x1;
	_ =	sdelay $0x1  }
0xac: {  	s5 =	simm.s32 @p0 $0x1B8D  }
0xad: {  	_ =	swait.eq @p0 [sflag:s5], $0x1  }
0xae: {  	[sflag:s5] =	ssyncadd.s32 @p0 $0xFFFFFFFF  }
0xaf: {  	s6 =	sshll.u32 @!p0 s1, $0xE  }
0xb0: {  	s6 =	sor.u32 @!p0 $0x4000, s6;
	s5 =	simm.s32 @!p0 $0x1B8D  }
0xb1: {  	s4 =	sshll.u32 @!p0 s4, $0x11;
	s6 =	sadd.s32 @!p0 $0x11B8D, s6;
	_ =	swait.eq @!p0 [sflag:s5], $0x1  }
0xb2: {  	s4 =	sor.u32 @!p0 s4, s6;
	[sflag:s5] =	ssyncadd.s32 @!p0 $0xFFFFFFFF  }
0xb3: {  	s25 =	simm.s32 $0x1B8E;
	s24 =	sld [smem:$0x3FFE];
	[sflag:s4] =	ssyncadd.remote.s32 @!p0 $0x1  }
0xb4: {  	s26 =	simm.s32 $execute0_lowered;
	[smem:$0x3FD2] =	sst s25  }
0xb5: {  	s5 =	sshll.u32 s26, $0x1;
	_ =	strace $0x80000049;
	[dreg:$0x1] =	wrdreg $0xFFFFFFFF  }
0xb6: {  	s28 =	simm.s32 $_size_execute0_lowered;
	s3 =	sadd.s32 s3, s5;
	[dreg:$0x0] =	wrdreg $0x0  }
0xb7: {  	s5 =	sshll.u32 s28, $0x1;
	[dreg:$0x2] =	wrdreg s3  }
0xb8: {  	[dreg:$0x3] =	wrdreg s5  }
0xb9: {  	[dreg:$0x4] =	wrdreg $0xC0  }
0xba: {  	_ =	task [dreg:s22], $0x5FFFF  }
0xbb: {  	[dreg:$0x1] =	wrdreg $0xFFFFFFFF  }
0xbc: {  	[dreg:$0x0] =	wrdreg $0x60  }
0xbd: {  	[dreg:$0x2] =	wrdreg s24  }
0xbe: {  	[dreg:$0x3] =	wrdreg $0x0  }
0xbf: {  	[dreg:$0x4] =	wrdreg $0x9  }
0xc0: {  	_ =	task.clear_ibuf [dreg:s22], $0x5FFFF;
	_ =	strace $0x90000049  }
0xc1: {  	s29 =	simm.s32 $0x9;
	_ =	strace $0x8000004B  }
0xc2: {  	_ =	swait.ge [sflag:s29], $0x1  }
0xc3: {  	[sflag:s29] =	ssyncadd.s32 $0xFFFFFFFF  }
0xc4: {  	_ =	strace $0x9000004B  }
0xc5: {  	_ =	sfence  }
0xc6: {  	s30 =	sld [smem:$0x0];
	_ =	sdelay $0x2  }
0xc7: {  	s31 =	sshll.u32 s1, $0xD;
	s1 =	sshrl.u32 s1, $0x2  }
0xc8: {  	s4 =	sand.u32 $0x4000, s31;
	s1 =	sadd.s32 s1, s30  }
0xc9: {  	s0 =	sor.u32 s4, s0;
	s1 =	sshll.u32 s1, $0x11  }
0xca: {  	s0 =	sor.u32 s1, s0  }
0xcb: {  	s0 =	sadd.s32 $0x8F2B, s0  }
0xcc: {  	[sflag:s0] =	ssyncadd.remote.s32 $0x1  }
0xcd: {  	_ =	sfence.sel $0xFFFF  }
0xce: {  	[dreg:$0x0] =	wrdreg $0xFFFFFFFF;
	(pc) =	sbr.abs _section_cstart, $3  }
0xcf: {  	[dreg:$0x1] =	wrdreg $0xFFFFFFFF  }
0xd0: {  	_ =	task.clear_ibuf [dreg:s22], $0x2FFFF;
	_ =	strace $0x9FFFFFFF  }
0xd1: {  	(tm) =	ssettm $0x7FFFFFFF  }
tec
execute0_lowered:
.L_overlay_start_1:
0x0: {  	(tag) =	ssettag $0x1  }
0x1: {  	s6 =	rddreg [dreg:$0x0]  }
0x2: {  	s0 =	srdreg.scid;
	s1 =	rddreg [dreg:$0x1]  }
0x3: {  	s3 =	simm.s32 $0x0;
	s2 =	stileid.u32;
	s15 =	simm.s32 $0x1  }
0x4: {  	s16 =	simm.s32 $0x14080;
	s17 =	simm.s32 $0x14000;
	s8 =	smul.u32 $0x14000, s2  }
0x5: {  	s18 =	simm.s32 $0x80;
	s21 =	simm.s32 $0x0;
	s9 =	smul.u32 $0x50000, s2  }
0x6: {  	s7 =	sand.u32 $0x1, s0;
	s0 =	rddreg [dreg:$0x2];
	s13 =	smul.u32 $0x4F0, s2  }
0x7: {  	[smem:$0x7FF] =	sst s3;
	s19 =	sshll.u32 s2, $0x6;
	s4 =	smul.u32 $0x4F00, s7  }
0x8: {  	s5 =	smul.u32 $0x140000, s7;
	_ =	strace $0x8000004A;
	s7 =	ssub.s32 $0x2, s7  }
0x9: {  	s19 =	sor.u32 $0x1C01, s19;
	s30 =	sshrl.u32 s9, $0x2;
	s31 =	sshrl.u32 s7, $0x1  }
0xa: {  	s11 =	sadd.s32 s4, s6;
	s8 =	sadd.s32 s8, s5;
	s4 =	sadd.s32 $0x66600, s6  }
0xb: {  	s5 =	sadd.s32 $0x15E00, s6;
	s14 =	ssub.s32 s7, s31;
	s8 =	sshrl.u32 s8, $0x3  }
0xc: {  	s13 =	sadd.s32 s13, s11;
	s12 =	sadd.s32 s8, s6;
	s6 =	sadd.s32 s30, s1  }
0xd: {  	s13 =	sadd.s32 $0x2200, s13;
	s7 =	sadd.s32 $0x4000, s6;
	s8 =	sadd.s32 $0x8000, s6  }
0xe: {  	s9 =	sadd.s32 $0xC000, s6;
	s10 =	sadd.s32 $0x10000, s6;
	s11 =	sadd.s32 $0x66E00, s12  }
0xf: {  	s12 =	smax.u32 s14, $0x1;
	s14 =	simm.s32 $0x18080;
	s20 =	sshrl.u32 s6, $0x3  }
.LBB2_1:
0x10: {  	[tilespmem:s14], [sflag:$0x1] =	stream.linear.gather [hbm4b:s5+s3], $0x4000, $0x38;
	[tilespmem:$0x1C080] =	vst v63  }
0x11: {  	_ =	swait.ge [sflag:s15], $0x4000  }
0x12: {  	[sflag:s15] =	ssyncset.done $0x0  }
0x13: {  	[sflag:s15] =	ssyncadd.s32 $0xFFFFC000  }
0x14: {  	[spmem:s6] =	stream.linear.scatter [tilespmem:s14], [sflag:$0x1], $0x4000, $0x38;
	[tilespmem:$0x1C080] =	vst v63  }
0x15: {  	_ =	swait.ge [sflag:s15], $0x4000  }
0x16: {  	[sflag:s15] =	ssyncset.done $0x0  }
0x17: {  	[sflag:s15] =	ssyncadd.s32 $0xFFFFC000  }
0x18: {  	[spmem:s7] =	stream.linear.scatter [tilespmem:s14], [sflag:$0x1], $0x4000, $0x38;
	[tilespmem:$0x1C080] =	vst v63  }
0x19: {  	_ =	swait.ge [sflag:s15], $0x4000  }
0x1a: {  	[sflag:s15] =	ssyncset.done $0x0  }
0x1b: {  	[sflag:s15] =	ssyncadd.s32 $0xFFFFC000  }
0x1c: {  	[spmem:s8] =	stream.linear.scatter [tilespmem:s14], [sflag:$0x1], $0x4000, $0x38;
	[tilespmem:$0x1C080] =	vst v63  }
0x1d: {  	_ =	swait.ge [sflag:s15], $0x4000  }
0x1e: {  	[sflag:s15] =	ssyncset.done $0x0  }
0x1f: {  	[sflag:s15] =	ssyncadd.s32 $0xFFFFC000  }
0x20: {  	[spmem:s9] =	stream.linear.scatter [tilespmem:s14], [sflag:$0x1], $0x4000, $0x38;
	[tilespmem:$0x1C080] =	vst v63  }
0x21: {  	_ =	swait.ge [sflag:s15], $0x4000  }
0x22: {  	[sflag:s15] =	ssyncset.done $0x0  }
0x23: {  	[sflag:s15] =	ssyncadd.s32 $0xFFFFC000  }
0x24: {  	[spmem:s10] =	stream.linear.scatter [tilespmem:s14], [sflag:$0x1], $0x4000, $0x38;
	[tilespmem:$0x1C080] =	vst v63  }
0x25: {  	_ =	swait.ge [sflag:s15], $0x4000  }
0x26: {  	[sflag:s15] =	ssyncset.done $0x0  }
0x27: {  	[sflag:s15] =	ssyncadd.s32 $0xFFFFC000  }
0x28: {  	[tilespmem:s16], [sflag:$0x1] =	stream.linear.gather [hbm4b:s4+s3], $0x4000, $0x38;
	[tilespmem:$0x1C080] =	vst v63  }
0x29: {  	_ =	swait.ge [sflag:s15], $0x4000  }
0x2a: {  	[sflag:s15] =	ssyncset.done $0x0  }
0x2b: {  	[sflag:s15] =	ssyncadd.s32 $0xFFFFC000  }
0x2c: {  	s22 =	sadd.s32 $0x0, s13;
	[bflag:$0x0] =	sbarrier.arrive $0xFFFF  }
0x2d: {  	[tilespmem:s17], [sflag:$0x1] =	stream.linear.gather [hbm4b:s22+s3], $0x80, $0x38;
	[tilespmem:$0x1C080] =	vst v63  }
0x2e: {  	_ =	swait.ge [sflag:s15], $0x80  }
0x2f: {  	[sflag:s15] =	ssyncset.done $0x0  }
0x30: {  	[sflag:s15] =	ssyncadd.s32 $0xFFFFFF80  }
0x31: {  	[spmem:s1] =	stream.indirect.scatter.add.f32 [tilespmem:s16], [sflag:$0x1], $0x80, s17, s18, $0xb8;
	[tilespmem:$0x1C080] =	vst v63  }
0x32: {  	_ =	swait.ge [sflag:s15], $0x4000  }
0x33: {  	s23 =	simm.s32 $0x20;
	s22 =	simm.s32 $0x10;
	[sflag:s15] =	ssyncset.done $0x0  }
.LBB2_2:
0x34: {  	s24 =	sadd.s32 s22, s13  }
0x35: {  	[sflag:s15] =	ssyncadd.s32 $0xFFFFC000;
	s22 =	smov.u32 s23;
	s25 =	sadd.s32 $0x10, s23  }
0x36: {  	[tilespmem:s17], [sflag:$0x1] =	stream.linear.gather [hbm4b:s24+s3], $0x80, $0x38;
	[tilespmem:$0x1C080] =	vst v63  }
0x37: {  	p0 =	sne.s32 s23, $0x4E0;
	_ =	swait.ge [sflag:s15], $0x80  }
.Ltmp0:
0x38: {  	[sflag:s15] =	ssyncset.done $0x0;
	(pc) =	sbr.rel @p0 .LBB2_2-.Ltmp0, $4  }
0x39: {  	[sflag:s15] =	ssyncadd.s32 $0xFFFFFF80  }
0x3a: {  	[spmem:s1] =	stream.indirect.scatter.add.f32 [tilespmem:s16], [sflag:$0x1], $0x80, s17, s18, $0xb8;
	[tilespmem:$0x1C080] =	vst v63  }
0x3b: {  	_ =	swait.ge [sflag:s15], $0x4000  }
0x3c: {  	s23 =	smov.u32 s25;
	[sflag:s15] =	ssyncset.done $0x0  }
0x3d: {  	s22 =	sadd.s32 s22, s13;
	[sflag:s15] =	ssyncadd.s32 $0xFFFFC000  }
0x3e: {  	[tilespmem:s17], [sflag:$0x1] =	stream.linear.gather [hbm4b:s22+s3], $0x80, $0x38;
	[tilespmem:$0x1C080] =	vst v63  }
0x3f: {  	_ =	swait.ge [sflag:s15], $0x80  }
0x40: {  	[sflag:s15] =	ssyncset.done $0x0  }
0x41: {  	[sflag:s15] =	ssyncadd.s32 $0xFFFFFF80  }
0x42: {  	[spmem:s1] =	stream.indirect.scatter.add.f32 [tilespmem:s16], [sflag:$0x1], $0x80, s17, s18, $0xb8;
	[tilespmem:$0x1C080] =	vst v63  }
0x43: {  	_ =	swait.ge [sflag:s15], $0x4000  }
0x44: {  	s21 =	sadd.s32 $0x1, s21;
	[sflag:s15] =	ssyncset.done $0x0  }
0x45: {  	p0 =	sne.s32 s21, s12;
	[sflag:s15] =	ssyncadd.s32 $0xFFFFC000  }
.Ltmp1:
0x46: {  	[bflag:$0x0] =	sbarrier.arrive $0xFFFF;
	(pc) =	sbr.rel @p0 .LBB2_1-.Ltmp1, $4  }
0x47: {  	[hbm:s11], [sflag:s19] =	dma.local [spmem:s20], $0x2800  }
0x48: {  	_ =	swait.ge [sflag:s15], $0x2800  }
0x49: {  	[sflag:s15] =	ssyncset.done $0x0  }
0x4a: {  	[sflag:s15] =	ssyncadd.s32 $0xFFFFD800  }
0x4b: {  	_ =	sfence.sel $0x180000  }
0x4c: {  	[bflag:$0x0] =	sbarrier.arrive $0xFFFF  }
0x4d: {  	p0 =	sne.s32 s2, $0x0;
	_ =	strace $0x9000004A  }
0x4e: {  	s0 =	sadd.s32 @!p0 $0x100000, s0;
	[bflag:$0x2] =	sbarrier.arrive $0xFFFF  }
0x4f: {  	[sflag:s0] =	ssyncadd.tile.s32 @!p0 $0x1;
	_ =	shalt  }
.Lfunc_end2:
_tile_overlayer_lowered:
.L_overlay_start_2:
0x50: {  	(tag) =	ssettag $0x2  }
0x51: {  	s0 =	rddreg [dreg:$0x0];
	s2 =	stileid.u32  }
0x52: {  	s1 =	rddreg [dreg:$0x1];
	p0 =	sne.s32 s2, $0x0  }
0x53: {  	s3 =	rddreg [dreg:$0x2];
	[bflag:$0x3] =	sbarrier.arrive $0xFFFF;
	s2 =	simm.s32 @!p0 $0x1C01  }
0x54: {  	[timem:s3], [sflag:s2] =	dma.local @!p0 [hbm:s0], s1  }
0x55: {  	s0 =	simm.s32 @!p0 $0x1  }
0x56: {  	_ =	swait.ge @!p0 [sflag:s0], s1  }
0x57: {  	s1 =	ssub.s32 @!p0 $0x0, s1;
	[sflag:s0] =	ssyncset.done @!p0 $0x0  }
0x58: {  	[sflag:s0] =	ssyncadd.s32 @!p0 s1  }
0x59: {  	[bflag:$0x3] =	sbarrier.arrive $0xFFFF  }
0x5a: {  	_ =	shalt  }

// kernel: kernel.13.cloned.1.call-start
scs
__scs_entry_jumppad:
0x0: {  	(pc) =	sbr.rel $0x88, $3  }
0x1: {  	(tag) =	ssettag $0x0;
	lr =	simm.s32 $0x1  }
0x2: {  	[smem:$0x3F99] =	sst lr;
	_ =	strace $0xD0000000  }
0x3: {  	_ = 	snop  }
0x4: {  	_ = 	snop  }
0x5: {  	_ = 	snop  }
0x6: {  	_ = 	snop  }
0x7: {  	_ = 	snop  }
__scs_overlays_trampoline_lowered:
0x8: {  	[smem:$0x3FA8] =	sst s0  }
0x9: {  	[smem:$0x3FA9] =	sst s1  }
0xa: {  	[smem:$0x3FAA] =	sst s2  }
0xb: {  	[smem:$0x3FAB] =	sst s3  }
0xc: {  	[smem:$0x3FAC] =	sst s4  }
0xd: {  	[smem:$0x3FAD] =	sst s5  }
0xe: {  	[smem:$0x3FAE] =	sst s6  }
0xf: {  	[smem:$0x3FAF] =	sst s7  }
0x10: {  	[smem:$0x3FB0] =	sst s8  }
0x11: {  	[smem:$0x3FB1] =	sst s9;
	s0 =	simm.s32 @!p0 $0x0  }
0x12: {  	s1 =	sld [smem:$0x3F97];
	s0 =	simm.s32 @p0 $0x1  }
0x13: {  	[smem:$0x3FB2] =	sst s0;
	s0 =	simm.s32 @!p1 $0x0  }
0x14: {  	s2 =	sld [smem:$0x3F96];
	s0 =	simm.s32 @p1 $0x1  }
0x15: {  	[smem:$0x3FB3] =	sst s0;
	s0 =	simm.s32 @!p2 $0x0  }
0x16: {  	s3 =	sld [smem:$0x3FDB];
	s0 =	simm.s32 @p2 $0x1  }
0x17: {  	s4 =	simm.s32 $0x1BF5;
	[smem:$0x3FB5] =	sst s0  }
0x18: {  	s0 =	sld [smem:$0x3F98];
	_ =	swait.ge [sflag:s4], $0x0  }
0x19: {  	s7 =	sld [smem:$0x3F99]  }
0x1a: {  	s8 =	sadd.s32 $0xFFFFE003, lr  }
0x1b: {  	s9 =	sadd.s32 $0xFFFFFEF7, lr;
	s5 =	simm.s32 $0xFFFFFFFF;
	p2 =	slt.u32 s8, $0xFFFFF086  }
0x1c: {  	p1 =	slt.u32 s9, $0xF7A;
	s5 =	simm.s32 @!p2 $0x0  }
0x1d: {  	s5 =	simm.s32 @p1 $0x1;
	p0 =	seq.s32 s7, s2  }
0x1e: {  	s7 =	smul.u32 @!p0 $0xF7A, s2;
	p2 =	seq.s32 @!p0 s5, $0x0  }
0x1f: {  	s9 =	smul.u32 $0xF7A, s1;
	s8 =	simm.s32 @!p0 $0x1BF5;
	p2 =	por !p2, p0  }
0x20: {  	[sflag:s8] =	ssyncset.s32 @!p0 $0xFFFFF086;
	s6 =	sadd.s32 @!p0 s3, s7;
	s7 =	simm.s32 @!p0 $0x108  }
0x21: {  	s3 =	sadd.s32 s3, s9;
	s6 =	sadd.s32 @!p0 $0x88, s6;
	s7 =	simm.s32 @p2 $0x1082  }
0x22: {  	[simem:s7], [sflag:s8] =	dma.local @!p0 [hbm:s6], $0xF7A  }
0x23: {  	s9 =	sor.u32 $0xD0000000, s2;
	s6 =	simm.s32 $0x108;
	_ =	swait.ge @!p0 [sflag:s8], $0x0  }
0x24: {  	s3 =	sadd.s32 $0x88, s3;
	s6 =	simm.s32 @!p1 $0x1082;
	[sflag:s4] =	ssyncset.s32 $0xFFFFF086  }
0x25: {  	[simem:s6], [sflag:s4] =	dma.local [hbm:s3], $0xF7A  }
0x26: {  	[smem:$0x3F99] =	sst s1;
	(tag) =	ssettag s2;
	_ =	strace s9  }
0x27: {  	s1 =	sld [smem:$0x3FA9]  }
0x28: {  	s2 =	sld [smem:$0x3FAA]  }
0x29: {  	s4 =	sld [smem:$0x3FAC]  }
0x2a: {  	p0 =	seq.s32 s5, $0x0;
	s5 =	sld [smem:$0x3FAD]  }
0x2b: {  	s6 =	sld [smem:$0x3FAE]  }
0x2c: {  	s7 =	sld [smem:$0x3FAF]  }
0x2d: {  	s3 =	simm.s32 $0x108;
	s8 =	sld [smem:$0x3FB0]  }
0x2e: {  	s3 =	simm.s32 @!p0 $0x1082;
	s9 =	sld [smem:$0x3FB1]  }
0x2f: {  	lr =	sadd.s32 s0, s3;
	s0 =	sld [smem:$0x3FA8]  }
0x30: {  	s3 =	sld [smem:$0x3FAB]  }
0x31: {  	[smem:$0x3FB4] =	sst s10  }
0x32: {  	s10 =	sld [smem:$0x3FB2];
	_ =	sdelay $0x3  }
0x33: {  	p0 =	seq.s32 s10, $0x1;
	s10 =	sld [smem:$0x3FB4];
	_ =	sdelay $0x3  }
0x34: {  	[smem:$0x3FB4] =	sst s10  }
0x35: {  	s10 =	sld [smem:$0x3FB3];
	_ =	sdelay $0x3  }
0x36: {  	p1 =	seq.s32 s10, $0x1;
	s10 =	sld [smem:$0x3FB4];
	_ =	sdelay $0x3  }
0x37: {  	[smem:$0x3FB4] =	sst s10  }
0x38: {  	s10 =	sld [smem:$0x3FB5]  }
0x39: {  	_ = 	snop;
	(pc) =	sbr.ind lr, $3  }
0x3a: {  	_ = 	snop  }
0x3b: {  	_ = 	snop  }
0x3c: {  	p2 =	seq.s32 s10, $0x1;
	s10 =	sld [smem:$0x3FB4]  }
0x3d: {  	_ =	shalt  }
0x3e: {  	_ =	shalt  }
0x3f: {  	_ =	shalt  }
0x40: {  	_ =	shalt  }
0x41: {  	_ =	shalt  }
0x42: {  	_ =	shalt  }
0x43: {  	_ =	shalt  }
0x44: {  	_ =	shalt  }
0x45: {  	_ =	shalt  }
0x46: {  	_ =	shalt  }
0x47: {  	_ =	shalt  }
0x48: {  	_ =	shalt  }
0x49: {  	_ =	shalt  }
0x4a: {  	_ =	shalt  }
0x4b: {  	_ =	shalt  }
0x4c: {  	_ =	shalt  }
0x4d: {  	_ =	shalt  }
0x4e: {  	_ =	shalt  }
0x4f: {  	_ =	shalt  }
0x50: {  	_ =	shalt  }
0x51: {  	_ =	shalt  }
0x52: {  	_ =	shalt  }
0x53: {  	_ =	shalt  }
0x54: {  	_ =	shalt  }
0x55: {  	_ =	shalt  }
0x56: {  	_ =	shalt  }
0x57: {  	_ =	shalt  }
0x58: {  	_ =	shalt  }
0x59: {  	_ =	shalt  }
0x5a: {  	_ =	shalt  }
0x5b: {  	_ =	shalt  }
0x5c: {  	_ =	shalt  }
0x5d: {  	_ =	shalt  }
0x5e: {  	_ =	shalt  }
0x5f: {  	_ =	shalt  }
0x60: {  	_ =	shalt  }
0x61: {  	_ =	shalt  }
0x62: {  	_ =	shalt  }
0x63: {  	_ =	shalt  }
0x64: {  	_ =	shalt  }
0x65: {  	_ =	shalt  }
0x66: {  	_ =	shalt  }
0x67: {  	_ =	shalt  }
0x68: {  	_ =	shalt  }
0x69: {  	_ =	shalt  }
0x6a: {  	_ =	shalt  }
0x6b: {  	_ =	shalt  }
0x6c: {  	_ =	shalt  }
0x6d: {  	_ =	shalt  }
0x6e: {  	_ =	shalt  }
0x6f: {  	_ =	shalt  }
0x70: {  	_ =	shalt  }
0x71: {  	_ =	shalt  }
0x72: {  	_ =	shalt  }
0x73: {  	_ =	shalt  }
0x74: {  	_ =	shalt  }
0x75: {  	_ =	shalt  }
0x76: {  	_ =	shalt  }
0x77: {  	_ =	shalt  }
0x78: {  	_ =	shalt  }
0x79: {  	_ =	shalt  }
0x7a: {  	_ =	shalt  }
0x7b: {  	_ =	shalt  }
0x7c: {  	_ =	shalt  }
0x7d: {  	_ =	shalt  }
0x7e: {  	_ =	shalt  }
0x7f: {  	_ =	shalt  }
0x80: {  	_ =	shalt  }
0x81: {  	_ =	shalt  }
0x82: {  	_ =	shalt  }
0x83: {  	_ =	shalt  }
0x84: {  	_ =	shalt  }
0x85: {  	_ =	shalt  }
0x86: {  	_ =	shalt  }
0x87: {  	_ =	shalt  }
.Lfunc_end0:
.L_simem_size_0:
called_computation.1_lowered:
.L_overlay_start_0:
0x88: {  	s2 =	sld [smem:$0x3FD9]  }
0x89: {  	s3 =	sld [smem:$0x3FFE];
	_ =	sdelay $0x1  }
0x8a: {  	s1 =	srdreg.scid  }
0x8b: {  	s0 =	sand.u32 $0x1, s1  }
0x8c: {  	s17 =	sshll.u32 s0, $0xA;
	s2 =	sadd.s32 s3, s2  }
0x8d: {  	s2 =	sadd.s32 s2, s17  }
0x8e: {  	[smem:$0x3FC0] =	sst s2  }
0x8f: {  	_ = 	snop  }
0x90: {  	s2 =	sld [smem:$0x3FD0];
	(tm) =	ssettm $0x1  }
0x91: {  	s18 =	sld [smem:$0x3FFB];
	_ =	sdelay $0x3  }
0x92: {  	_ =	strace s18  }
0x93: {  	s3 =	sld [smem:$0x3FFC];
	_ =	sdelay $0x3  }
0x94: {  	_ =	strace s3  }
0x95: {  	s3 =	sld [smem:$0x3FFD];
	_ =	sdelay $0x3  }
0x96: {  	_ =	strace s3  }
0x97: {  	_ =	strace $0x8FFFFFFF  }
0x98: {  	s19 =	sld [smem:$0x3FDB];
	_ =	sdelay $0x1  }
0x99: {  	s4 =	simm.s32 $_scs_section_size  }
0x9a: {  	s5 =	simm.s32 $_size__tile_overlayer_lowered;
	s6 =	simm.s32 $_tile_overlayer_lowered  }
0x9b: {  	s22 =	simm.s32 $0x1BFF;
	s21 =	sshll.u32 s6, $0x1;
	s3 =	sadd.s32 s4, s19  }
0x9c: {  	s7 =	simm.s32 $0x0;
	s20 =	sshll.u32 s5, $0x1;
	s5 =	sadd.s32 s21, s3  }
0x9d: {  	[timem:s7], [sflag:s22] =	dma.local [hbm:s5], s20  }
0x9e: {  	_ =	swait.ge [sflag:s22], s20  }
0x9f: {  	s4 =	ssub.s32 $0x0, s20;
	[sflag:s22] =	ssyncset.done $0x0  }
0xa0: {  	[sflag:s22] =	ssyncadd.s32 s4;
	_ =	sdelay $0x1  }
0xa1: {  	s23 =	simm.s32 $0x1B8B  }
0xa2: {  	_ =	swait.ge [sflag:s23], $0x1  }
0xa3: {  	[sflag:s23] =	ssyncset.done $0x0  }
0xa4: {  	s25 =	simm.s32 $0x1B8E;
	s24 =	sld [smem:$0x3FFE];
	[sflag:s23] =	ssyncadd.s32 $0xFFFFFFFF  }
0xa5: {  	s26 =	simm.s32 $execute0_lowered;
	[smem:$0x3FD2] =	sst s25  }
0xa6: {  	s5 =	sshll.u32 s26, $0x1;
	_ =	strace $0x80000046;
	[dreg:$0x1] =	wrdreg $0xFFFFFFFF  }
0xa7: {  	s28 =	simm.s32 $_size_execute0_lowered;
	s3 =	sadd.s32 s3, s5;
	[dreg:$0x0] =	wrdreg $0x0  }
0xa8: {  	s5 =	sshll.u32 s28, $0x1;
	[dreg:$0x2] =	wrdreg s3  }
0xa9: {  	[dreg:$0x3] =	wrdreg s5  }
0xaa: {  	[dreg:$0x4] =	wrdreg $0xC0  }
0xab: {  	_ =	task [dreg:s7], $0x5FFFF  }
0xac: {  	[dreg:$0x1] =	wrdreg $0xFFFFFFFF  }
0xad: {  	[dreg:$0x0] =	wrdreg $0x60  }
0xae: {  	[dreg:$0x2] =	wrdreg s2  }
0xaf: {  	[dreg:$0x3] =	wrdreg s24  }
0xb0: {  	[dreg:$0x4] =	wrdreg $0x0  }
0xb1: {  	[dreg:$0x5] =	wrdreg $0xA  }
0xb2: {  	_ =	task.clear_ibuf [dreg:s7], $0x6FFFF;
	_ =	strace $0x90000046  }
0xb3: {  	s29 =	simm.s32 $0xA;
	_ =	strace $0x80000048  }
0xb4: {  	_ =	swait.ge [sflag:s29], $0x1  }
0xb5: {  	[sflag:s29] =	ssyncadd.s32 $0xFFFFFFFF  }
0xb6: {  	_ =	strace $0x90000048  }
0xb7: {  	_ =	sfence  }
0xb8: {  	s30 =	sld [smem:$0x0];
	_ =	sdelay $0x2  }
0xb9: {  	s31 =	sshll.u32 s1, $0xD;
	s1 =	sshrl.u32 s1, $0x2  }
0xba: {  	s3 =	sand.u32 $0x4000, s31;
	s1 =	sadd.s32 s1, s30  }
0xbb: {  	s0 =	sor.u32 s3, s0;
	s1 =	sshll.u32 s1, $0x11  }
0xbc: {  	s0 =	sor.u32 s1, s0  }
0xbd: {  	s0 =	sadd.s32 $0x8F2B, s0  }
0xbe: {  	[sflag:s0] =	ssyncadd.remote.s32 $0x1  }
0xbf: {  	_ =	sfence.sel $0xFFFF  }
0xc0: {  	[dreg:$0x0] =	wrdreg $0xFFFFFFFF;
	(pc) =	sbr.abs _section_cstart, $3  }
0xc1: {  	[dreg:$0x1] =	wrdreg $0xFFFFFFFF  }
0xc2: {  	_ =	task.clear_ibuf [dreg:s7], $0x2FFFF;
	_ =	strace $0x9FFFFFFF  }
0xc3: {  	(tm) =	ssettm $0x7FFFFFFF  }
tec
execute0_lowered:
.L_overlay_start_1:
0x0: {  	(tag) =	ssettag $0x1  }
0x1: {  	s1 =	rddreg [dreg:$0x0]  }
0x2: {  	s6 =	rddreg [dreg:$0x1]  }
0x3: {  	s0 =	srdreg.scid;
	s2 =	rddreg [dreg:$0x2];
	s4 =	simm.s32 $0x0  }
0x4: {  	s3 =	stileid.u32;
	s15 =	simm.s32 $0x14100;
	s16 =	simm.s32 $0x2  }
0x5: {  	s17 =	simm.s32 $0x14000;
	s18 =	simm.s32 $0x14080;
	s9 =	smul.u32 $0x14000, s3  }
0x6: {  	s19 =	simm.s32 $0x80;
	s20 =	simm.s32 $0x1;
	s10 =	smul.u32 $0x50000, s3  }
0x7: {  	s7 =	sand.u32 $0x1, s0;
	s0 =	rddreg [dreg:$0x3];
	s14 =	smul.u32 $0x4F0, s3  }
0x8: {  	s23 =	simm.s32 $0x0;
	[smem:$0x7FF] =	sst s4;
	s5 =	smul.u32 $0x4F00, s7  }
0x9: {  	s21 =	sshll.u32 s3, $0x6;
	s8 =	smul.u32 $0x140000, s7;
	_ =	strace $0x80000047  }
0xa: {  	s7 =	ssub.s32 $0x2, s7;
	s21 =	sor.u32 $0x1C02, s21;
	s30 =	sshrl.u32 s10, $0x2  }
0xb: {  	s31 =	sshrl.u32 s7, $0x1;
	s13 =	sadd.s32 s5, s6;
	s8 =	sadd.s32 s9, s8  }
0xc: {  	s5 =	sadd.s32 $0x15E00, s6;
	s12 =	ssub.s32 s7, s31;
	s8 =	sshrl.u32 s8, $0x3  }
0xd: {  	s12 =	smax.u32 s12, $0x1;
	s14 =	sadd.s32 s14, s13;
	s11 =	sadd.s32 s8, s6  }
0xe: {  	s6 =	sadd.s32 s30, s2;
	s13 =	sadd.s32 $0x2200, s14;
	s14 =	sadd.s32 $0xC000, s14  }
0xf: {  	s7 =	sadd.s32 $0x4000, s6;
	s8 =	sadd.s32 $0x8000, s6;
	s9 =	sadd.s32 $0xC000, s6  }
0x10: {  	s10 =	sadd.s32 $0x10000, s6;
	s11 =	sadd.s32 $0x16600, s11;
	s22 =	sshrl.u32 s6, $0x3  }
.LBB2_1:
0x11: {  	[tilespmem:s15], [sflag:$0x2] =	stream.linear.gather [hbm4b:s5+s4], $0x4000, $0x38;
	[tilespmem:$0x18100] =	vst v63  }
0x12: {  	_ =	swait.ge [sflag:s16], $0x4000  }
0x13: {  	[sflag:s16] =	ssyncset.done $0x0  }
0x14: {  	[sflag:s16] =	ssyncadd.s32 $0xFFFFC000  }
0x15: {  	[spmem:s6] =	stream.linear.scatter [tilespmem:s15], [sflag:$0x2], $0x4000, $0x38;
	[tilespmem:$0x18100] =	vst v63  }
0x16: {  	_ =	swait.ge [sflag:s16], $0x4000  }
0x17: {  	[sflag:s16] =	ssyncset.done $0x0  }
0x18: {  	[sflag:s16] =	ssyncadd.s32 $0xFFFFC000  }
0x19: {  	[spmem:s7] =	stream.linear.scatter [tilespmem:s15], [sflag:$0x2], $0x4000, $0x38;
	[tilespmem:$0x18100] =	vst v63  }
0x1a: {  	_ =	swait.ge [sflag:s16], $0x4000  }
0x1b: {  	[sflag:s16] =	ssyncset.done $0x0  }
0x1c: {  	[sflag:s16] =	ssyncadd.s32 $0xFFFFC000  }
0x1d: {  	[spmem:s8] =	stream.linear.scatter [tilespmem:s15], [sflag:$0x2], $0x4000, $0x38;
	[tilespmem:$0x18100] =	vst v63  }
0x1e: {  	_ =	swait.ge [sflag:s16], $0x4000  }
0x1f: {  	[sflag:s16] =	ssyncset.done $0x0  }
0x20: {  	[sflag:s16] =	ssyncadd.s32 $0xFFFFC000  }
0x21: {  	[spmem:s9] =	stream.linear.scatter [tilespmem:s15], [sflag:$0x2], $0x4000, $0x38;
	[tilespmem:$0x18100] =	vst v63  }
0x22: {  	_ =	swait.ge [sflag:s16], $0x4000  }
0x23: {  	[sflag:s16] =	ssyncset.done $0x0  }
0x24: {  	[sflag:s16] =	ssyncadd.s32 $0xFFFFC000  }
0x25: {  	[spmem:s10] =	stream.linear.scatter [tilespmem:s15], [sflag:$0x2], $0x4000, $0x38;
	[tilespmem:$0x18100] =	vst v63  }
0x26: {  	_ =	swait.ge [sflag:s16], $0x4000  }
0x27: {  	[sflag:s16] =	ssyncset.done $0x0  }
0x28: {  	[sflag:s16] =	ssyncadd.s32 $0xFFFFC000  }
0x29: {  	s24 =	sadd.s32 $0x0, s14;
	[bflag:$0x0] =	sbarrier.arrive $0xFFFF  }
0x2a: {  	[tilespmem:s17], [sflag:$0x2] =	stream.linear.gather [hbm4b:s24+s4], $0x80, $0x38;
	[tilespmem:$0x18100] =	vst v63  }
0x2b: {  	_ =	swait.ge [sflag:s16], $0x80  }
0x2c: {  	[sflag:s16] =	ssyncset.done $0x0  }
0x2d: {  	s31 =	sadd.s32 $0x0, s13;
	[sflag:s16] =	ssyncadd.s32 $0xFFFFFF80  }
0x2e: {  	[tilespmem:s18], [sflag:$0x2] =	stream.linear.gather [hbm4b:s31+s4], $0x80, $0x38;
	[tilespmem:$0x18100] =	vst v63  }
0x2f: {  	_ =	swait.ge [sflag:s16], $0x80  }
0x30: {  	[sflag:s16] =	ssyncset.done $0x0  }
0x31: {  	[sflag:s16] =	ssyncadd.s32 $0xFFFFFF80  }
0x32: {  	[tilespmem:s15], [sflag:$0x1] =	stream.indirect.gather [hbm4b:s1+s19], $0x80, s17, s19, $0xb8;
	[tilespmem:$0x18100] =	vst v63  }
0x33: {  	_ =	swait.ge [sflag:s20], $0x4000  }
0x34: {  	[sflag:s20] =	ssyncset.done $0x0  }
0x35: {  	[sflag:s20] =	ssyncadd.s32 $0xFFFFC000  }
0x36: {  	[spmem:s2] =	stream.indirect.scatter.add.f32 [tilespmem:s15], [sflag:$0x2], $0x80, s18, s19, $0xb8;
	[tilespmem:$0x18100] =	vst v63  }
0x37: {  	_ =	swait.ge [sflag:s16], $0x4000  }
0x38: {  	s25 =	simm.s32 $0x20;
	s24 =	simm.s32 $0x10;
	[sflag:s16] =	ssyncset.done $0x0  }
.LBB2_2:
0x39: {  	s26 =	sadd.s32 s24, s14  }
0x3a: {  	[sflag:s16] =	ssyncadd.s32 $0xFFFFC000;
	s28 =	smov.u32 s25;
	s29 =	sadd.s32 $0x10, s25  }
0x3b: {  	[tilespmem:s17], [sflag:$0x2] =	stream.linear.gather [hbm4b:s26+s4], $0x80, $0x38;
	[tilespmem:$0x18100] =	vst v63  }
0x3c: {  	p0 =	sne.s32 s25, $0x4E0;
	_ =	swait.ge [sflag:s16], $0x80  }
0x3d: {  	[sflag:s16] =	ssyncset.done $0x0  }
0x3e: {  	s25 =	sadd.s32 s24, s13;
	s24 =	smov.u32 s28;
	[sflag:s16] =	ssyncadd.s32 $0xFFFFFF80  }
0x3f: {  	[tilespmem:s18], [sflag:$0x2] =	stream.linear.gather [hbm4b:s25+s4], $0x80, $0x38;
	[tilespmem:$0x18100] =	vst v63  }
0x40: {  	_ =	swait.ge [sflag:s16], $0x80  }
0x41: {  	[sflag:s16] =	ssyncset.done $0x0  }
0x42: {  	[sflag:s16] =	ssyncadd.s32 $0xFFFFFF80  }
0x43: {  	[tilespmem:s15], [sflag:$0x1] =	stream.indirect.gather [hbm4b:s1+s19], $0x80, s17, s19, $0xb8;
	[tilespmem:$0x18100] =	vst v63  }
0x44: {  	_ =	swait.ge [sflag:s20], $0x4000  }
.Ltmp0:
0x45: {  	[sflag:s20] =	ssyncset.done $0x0;
	(pc) =	sbr.rel @p0 .LBB2_2-.Ltmp0, $4  }
0x46: {  	[sflag:s20] =	ssyncadd.s32 $0xFFFFC000  }
0x47: {  	[spmem:s2] =	stream.indirect.scatter.add.f32 [tilespmem:s15], [sflag:$0x2], $0x80, s18, s19, $0xb8;
	[tilespmem:$0x18100] =	vst v63  }
0x48: {  	_ =	swait.ge [sflag:s16], $0x4000  }
0x49: {  	s25 =	smov.u32 s29;
	[sflag:s16] =	ssyncset.done $0x0  }
0x4a: {  	s25 =	sadd.s32 s24, s14;
	[sflag:s16] =	ssyncadd.s32 $0xFFFFC000  }
0x4b: {  	[tilespmem:s17], [sflag:$0x2] =	stream.linear.gather [hbm4b:s25+s4], $0x80, $0x38;
	[tilespmem:$0x18100] =	vst v63  }
0x4c: {  	_ =	swait.ge [sflag:s16], $0x80  }
0x4d: {  	[sflag:s16] =	ssyncset.done $0x0  }
0x4e: {  	s31 =	sadd.s32 s24, s13;
	[sflag:s16] =	ssyncadd.s32 $0xFFFFFF80  }
0x4f: {  	[tilespmem:s18], [sflag:$0x2] =	stream.linear.gather [hbm4b:s31+s4], $0x80, $0x38;
	[tilespmem:$0x18100] =	vst v63  }
0x50: {  	_ =	swait.ge [sflag:s16], $0x80  }
0x51: {  	[sflag:s16] =	ssyncset.done $0x0  }
0x52: {  	[sflag:s16] =	ssyncadd.s32 $0xFFFFFF80  }
0x53: {  	[tilespmem:s15], [sflag:$0x1] =	stream.indirect.gather [hbm4b:s1+s19], $0x80, s17, s19, $0xb8;
	[tilespmem:$0x18100] =	vst v63  }
0x54: {  	_ =	swait.ge [sflag:s20], $0x4000  }
0x55: {  	[sflag:s20] =	ssyncset.done $0x0  }
0x56: {  	[sflag:s20] =	ssyncadd.s32 $0xFFFFC000  }
0x57: {  	[spmem:s2] =	stream.indirect.scatter.add.f32 [tilespmem:s15], [sflag:$0x2], $0x80, s18, s19, $0xb8;
	[tilespmem:$0x18100] =	vst v63  }
0x58: {  	_ =	swait.ge [sflag:s16], $0x4000  }
0x59: {  	s23 =	sadd.s32 $0x1, s23;
	[sflag:s16] =	ssyncset.done $0x0  }
0x5a: {  	p0 =	sne.s32 s23, s12;
	[sflag:s16] =	ssyncadd.s32 $0xFFFFC000  }
.Ltmp1:
0x5b: {  	[bflag:$0x0] =	sbarrier.arrive $0xFFFF;
	(pc) =	sbr.rel @p0 .LBB2_1-.Ltmp1, $4  }
0x5c: {  	[hbm:s11], [sflag:s21] =	dma.local [spmem:s22], $0x2800  }
0x5d: {  	_ =	swait.ge [sflag:s16], $0x2800  }
0x5e: {  	[sflag:s16] =	ssyncset.done $0x0  }
0x5f: {  	[sflag:s16] =	ssyncadd.s32 $0xFFFFD800  }
0x60: {  	_ =	sfence.sel $0x180000  }
0x61: {  	[bflag:$0x0] =	sbarrier.arrive $0xFFFF  }
0x62: {  	p0 =	sne.s32 s3, $0x0;
	_ =	strace $0x90000047  }
0x63: {  	s0 =	sadd.s32 @!p0 $0x100000, s0;
	[bflag:$0x2] =	sbarrier.arrive $0xFFFF  }
0x64: {  	[sflag:s0] =	ssyncadd.tile.s32 @!p0 $0x1;
	_ =	shalt  }
.Lfunc_end2:
_tile_overlayer_lowered:
.L_overlay_start_2:
0x65: {  	(tag) =	ssettag $0x2  }
0x66: {  	s0 =	rddreg [dreg:$0x0];
	s2 =	stileid.u32  }
0x67: {  	s1 =	rddreg [dreg:$0x1];
	p0 =	sne.s32 s2, $0x0  }
0x68: {  	s3 =	rddreg [dreg:$0x2];
	[bflag:$0x3] =	sbarrier.arrive $0xFFFF;
	s2 =	simm.s32 @!p0 $0x1C02  }
0x69: {  	[timem:s3], [sflag:s2] =	dma.local @!p0 [hbm:s0], s1  }
0x6a: {  	s0 =	simm.s32 @!p0 $0x2  }
0x6b: {  	_ =	swait.ge @!p0 [sflag:s0], s1  }
0x6c: {  	s1 =	ssub.s32 @!p0 $0x0, s1;
	[sflag:s0] =	ssyncset.done @!p0 $0x0  }
0x6d: {  	[sflag:s0] =	ssyncadd.s32 @!p0 s1  }
0x6e: {  	[bflag:$0x3] =	sbarrier.arrive $0xFFFF  }
0x6f: {  	_ =	shalt  }

// kernel: kernel.16.cloned.1.call-start
scs
__scs_entry_jumppad:
0x0: {  	(pc) =	sbr.rel $0x88, $3  }
0x1: {  	(tag) =	ssettag $0x0;
	lr =	simm.s32 $0x1  }
0x2: {  	[smem:$0x3F99] =	sst lr;
	_ =	strace $0xD0000000  }
0x3: {  	_ = 	snop  }
0x4: {  	_ = 	snop  }
0x5: {  	_ = 	snop  }
0x6: {  	_ = 	snop  }
0x7: {  	_ = 	snop  }
__scs_overlays_trampoline_lowered:
0x8: {  	[smem:$0x3FA8] =	sst s0  }
0x9: {  	[smem:$0x3FA9] =	sst s1  }
0xa: {  	[smem:$0x3FAA] =	sst s2  }
0xb: {  	[smem:$0x3FAB] =	sst s3  }
0xc: {  	[smem:$0x3FAC] =	sst s4  }
0xd: {  	[smem:$0x3FAD] =	sst s5  }
0xe: {  	[smem:$0x3FAE] =	sst s6  }
0xf: {  	[smem:$0x3FAF] =	sst s7  }
0x10: {  	[smem:$0x3FB0] =	sst s8  }
0x11: {  	[smem:$0x3FB1] =	sst s9;
	s0 =	simm.s32 @!p0 $0x0  }
0x12: {  	s1 =	sld [smem:$0x3F97];
	s0 =	simm.s32 @p0 $0x1  }
0x13: {  	[smem:$0x3FB2] =	sst s0;
	s0 =	simm.s32 @!p1 $0x0  }
0x14: {  	s2 =	sld [smem:$0x3F96];
	s0 =	simm.s32 @p1 $0x1  }
0x15: {  	[smem:$0x3FB3] =	sst s0;
	s0 =	simm.s32 @!p2 $0x0  }
0x16: {  	s3 =	sld [smem:$0x3FDB];
	s0 =	simm.s32 @p2 $0x1  }
0x17: {  	s4 =	simm.s32 $0x1BF5;
	[smem:$0x3FB5] =	sst s0  }
0x18: {  	s0 =	sld [smem:$0x3F98];
	_ =	swait.ge [sflag:s4], $0x0  }
0x19: {  	s7 =	sld [smem:$0x3F99]  }
0x1a: {  	s8 =	sadd.s32 $0xFFFFE003, lr  }
0x1b: {  	s9 =	sadd.s32 $0xFFFFFEF7, lr;
	s5 =	simm.s32 $0xFFFFFFFF;
	p2 =	slt.u32 s8, $0xFFFFF086  }
0x1c: {  	p1 =	slt.u32 s9, $0xF7A;
	s5 =	simm.s32 @!p2 $0x0  }
0x1d: {  	s5 =	simm.s32 @p1 $0x1;
	p0 =	seq.s32 s7, s2  }
0x1e: {  	s7 =	smul.u32 @!p0 $0xF7A, s2;
	p2 =	seq.s32 @!p0 s5, $0x0  }
0x1f: {  	s9 =	smul.u32 $0xF7A, s1;
	s8 =	simm.s32 @!p0 $0x1BF5;
	p2 =	por !p2, p0  }
0x20: {  	[sflag:s8] =	ssyncset.s32 @!p0 $0xFFFFF086;
	s6 =	sadd.s32 @!p0 s3, s7;
	s7 =	simm.s32 @!p0 $0x108  }
0x21: {  	s3 =	sadd.s32 s3, s9;
	s6 =	sadd.s32 @!p0 $0x88, s6;
	s7 =	simm.s32 @p2 $0x1082  }
0x22: {  	[simem:s7], [sflag:s8] =	dma.local @!p0 [hbm:s6], $0xF7A  }
0x23: {  	s9 =	sor.u32 $0xD0000000, s2;
	s6 =	simm.s32 $0x108;
	_ =	swait.ge @!p0 [sflag:s8], $0x0  }
0x24: {  	s3 =	sadd.s32 $0x88, s3;
	s6 =	simm.s32 @!p1 $0x1082;
	[sflag:s4] =	ssyncset.s32 $0xFFFFF086  }
0x25: {  	[simem:s6], [sflag:s4] =	dma.local [hbm:s3], $0xF7A  }
0x26: {  	[smem:$0x3F99] =	sst s1;
	(tag) =	ssettag s2;
	_ =	strace s9  }
0x27: {  	s1 =	sld [smem:$0x3FA9]  }
0x28: {  	s2 =	sld [smem:$0x3FAA]  }
0x29: {  	s4 =	sld [smem:$0x3FAC]  }
0x2a: {  	p0 =	seq.s32 s5, $0x0;
	s5 =	sld [smem:$0x3FAD]  }
0x2b: {  	s6 =	sld [smem:$0x3FAE]  }
0x2c: {  	s7 =	sld [smem:$0x3FAF]  }
0x2d: {  	s3 =	simm.s32 $0x108;
	s8 =	sld [smem:$0x3FB0]  }
0x2e: {  	s3 =	simm.s32 @!p0 $0x1082;
	s9 =	sld [smem:$0x3FB1]  }
0x2f: {  	lr =	sadd.s32 s0, s3;
	s0 =	sld [smem:$0x3FA8]  }
0x30: {  	s3 =	sld [smem:$0x3FAB]  }
0x31: {  	[smem:$0x3FB4] =	sst s10  }
0x32: {  	s10 =	sld [smem:$0x3FB2];
	_ =	sdelay $0x3  }
0x33: {  	p0 =	seq.s32 s10, $0x1;
	s10 =	sld [smem:$0x3FB4];
	_ =	sdelay $0x3  }
0x34: {  	[smem:$0x3FB4] =	sst s10  }
0x35: {  	s10 =	sld [smem:$0x3FB3];
	_ =	sdelay $0x3  }
0x36: {  	p1 =	seq.s32 s10, $0x1;
	s10 =	sld [smem:$0x3FB4];
	_ =	sdelay $0x3  }
0x37: {  	[smem:$0x3FB4] =	sst s10  }
0x38: {  	s10 =	sld [smem:$0x3FB5]  }
0x39: {  	_ = 	snop;
	(pc) =	sbr.ind lr, $3  }
0x3a: {  	_ = 	snop  }
0x3b: {  	_ = 	snop  }
0x3c: {  	p2 =	seq.s32 s10, $0x1;
	s10 =	sld [smem:$0x3FB4]  }
0x3d: {  	_ =	shalt  }
0x3e: {  	_ =	shalt  }
0x3f: {  	_ =	shalt  }
0x40: {  	_ =	shalt  }
0x41: {  	_ =	shalt  }
0x42: {  	_ =	shalt  }
0x43: {  	_ =	shalt  }
0x44: {  	_ =	shalt  }
0x45: {  	_ =	shalt  }
0x46: {  	_ =	shalt  }
0x47: {  	_ =	shalt  }
0x48: {  	_ =	shalt  }
0x49: {  	_ =	shalt  }
0x4a: {  	_ =	shalt  }
0x4b: {  	_ =	shalt  }
0x4c: {  	_ =	shalt  }
0x4d: {  	_ =	shalt  }
0x4e: {  	_ =	shalt  }
0x4f: {  	_ =	shalt  }
0x50: {  	_ =	shalt  }
0x51: {  	_ =	shalt  }
0x52: {  	_ =	shalt  }
0x53: {  	_ =	shalt  }
0x54: {  	_ =	shalt  }
0x55: {  	_ =	shalt  }
0x56: {  	_ =	shalt  }
0x57: {  	_ =	shalt  }
0x58: {  	_ =	shalt  }
0x59: {  	_ =	shalt  }
0x5a: {  	_ =	shalt  }
0x5b: {  	_ =	shalt  }
0x5c: {  	_ =	shalt  }
0x5d: {  	_ =	shalt  }
0x5e: {  	_ =	shalt  }
0x5f: {  	_ =	shalt  }
0x60: {  	_ =	shalt  }
0x61: {  	_ =	shalt  }
0x62: {  	_ =	shalt  }
0x63: {  	_ =	shalt  }
0x64: {  	_ =	shalt  }
0x65: {  	_ =	shalt  }
0x66: {  	_ =	shalt  }
0x67: {  	_ =	shalt  }
0x68: {  	_ =	shalt  }
0x69: {  	_ =	shalt  }
0x6a: {  	_ =	shalt  }
0x6b: {  	_ =	shalt  }
0x6c: {  	_ =	shalt  }
0x6d: {  	_ =	shalt  }
0x6e: {  	_ =	shalt  }
0x6f: {  	_ =	shalt  }
0x70: {  	_ =	shalt  }
0x71: {  	_ =	shalt  }
0x72: {  	_ =	shalt  }
0x73: {  	_ =	shalt  }
0x74: {  	_ =	shalt  }
0x75: {  	_ =	shalt  }
0x76: {  	_ =	shalt  }
0x77: {  	_ =	shalt  }
0x78: {  	_ =	shalt  }
0x79: {  	_ =	shalt  }
0x7a: {  	_ =	shalt  }
0x7b: {  	_ =	shalt  }
0x7c: {  	_ =	shalt  }
0x7d: {  	_ =	shalt  }
0x7e: {  	_ =	shalt  }
0x7f: {  	_ =	shalt  }
0x80: {  	_ =	shalt  }
0x81: {  	_ =	shalt  }
0x82: {  	_ =	shalt  }
0x83: {  	_ =	shalt  }
0x84: {  	_ =	shalt  }
0x85: {  	_ =	shalt  }
0x86: {  	_ =	shalt  }
0x87: {  	_ =	shalt  }
.Lfunc_end0:
.L_simem_size_0:
called_computation.2_lowered:
.L_overlay_start_0:
0x88: {  	s2 =	sld [smem:$0x3FD9]  }
0x89: {  	s3 =	sld [smem:$0x3FFE];
	_ =	sdelay $0x1  }
0x8a: {  	s1 =	srdreg.scid  }
0x8b: {  	s0 =	sand.u32 $0x1, s1  }
0x8c: {  	s17 =	sshll.u32 s0, $0xA;
	s2 =	sadd.s32 s3, s2  }
0x8d: {  	s2 =	sadd.s32 s2, s17  }
0x8e: {  	[smem:$0x3FC0] =	sst s2  }
0x8f: {  	_ = 	snop  }
0x90: {  	s2 =	sld [smem:$0x3FD0];
	(tm) =	ssettm $0x1  }
0x91: {  	s18 =	sld [smem:$0x3FFB];
	_ =	sdelay $0x3  }
0x92: {  	_ =	strace s18  }
0x93: {  	s3 =	sld [smem:$0x3FFC];
	_ =	sdelay $0x3  }
0x94: {  	_ =	strace s3  }
0x95: {  	s3 =	sld [smem:$0x3FFD];
	_ =	sdelay $0x3  }
0x96: {  	_ =	strace s3  }
0x97: {  	_ =	strace $0x8FFFFFFF  }
0x98: {  	s19 =	sld [smem:$0x3FDB];
	_ =	sdelay $0x1  }
0x99: {  	s4 =	simm.s32 $_scs_section_size  }
0x9a: {  	s5 =	simm.s32 $_size__tile_overlayer_lowered;
	s6 =	simm.s32 $_tile_overlayer_lowered  }
0x9b: {  	s22 =	simm.s32 $0x1BFF;
	s21 =	sshll.u32 s6, $0x1;
	s3 =	sadd.s32 s4, s19  }
0x9c: {  	s7 =	simm.s32 $0x0;
	s20 =	sshll.u32 s5, $0x1;
	s5 =	sadd.s32 s21, s3  }
0x9d: {  	[timem:s7], [sflag:s22] =	dma.local [hbm:s5], s20  }
0x9e: {  	_ =	swait.ge [sflag:s22], s20  }
0x9f: {  	s4 =	ssub.s32 $0x0, s20;
	[sflag:s22] =	ssyncset.done $0x0  }
0xa0: {  	[sflag:s22] =	ssyncadd.s32 s4;
	_ =	sdelay $0x1  }
0xa1: {  	s23 =	simm.s32 $0x1B8B  }
0xa2: {  	_ =	swait.ge [sflag:s23], $0x1  }
0xa3: {  	[sflag:s23] =	ssyncset.done $0x0  }
0xa4: {  	s25 =	simm.s32 $0x1B8E;
	s24 =	sld [smem:$0x3FFE];
	[sflag:s23] =	ssyncadd.s32 $0xFFFFFFFF  }
0xa5: {  	s26 =	simm.s32 $execute0_lowered;
	[smem:$0x3FD2] =	sst s25  }
0xa6: {  	s5 =	sshll.u32 s26, $0x1;
	_ =	strace $0x8000004C;
	[dreg:$0x1] =	wrdreg $0xFFFFFFFF  }
0xa7: {  	s28 =	simm.s32 $_size_execute0_lowered;
	s3 =	sadd.s32 s3, s5;
	[dreg:$0x0] =	wrdreg $0x0  }
0xa8: {  	s5 =	sshll.u32 s28, $0x1;
	[dreg:$0x2] =	wrdreg s3  }
0xa9: {  	[dreg:$0x3] =	wrdreg s5  }
0xaa: {  	[dreg:$0x4] =	wrdreg $0xC0  }
0xab: {  	_ =	task [dreg:s7], $0x5FFFF  }
0xac: {  	[dreg:$0x1] =	wrdreg $0xFFFFFFFF  }
0xad: {  	[dreg:$0x0] =	wrdreg $0x60  }
0xae: {  	[dreg:$0x2] =	wrdreg s2  }
0xaf: {  	[dreg:$0x3] =	wrdreg s24  }
0xb0: {  	[dreg:$0x4] =	wrdreg $0x0  }
0xb1: {  	[dreg:$0x5] =	wrdreg $0x9  }
0xb2: {  	_ =	task.clear_ibuf [dreg:s7], $0x6FFFF;
	_ =	strace $0x9000004C  }
0xb3: {  	s29 =	simm.s32 $0x9;
	_ =	strace $0x8000004E  }
0xb4: {  	_ =	swait.ge [sflag:s29], $0x1  }
0xb5: {  	[sflag:s29] =	ssyncadd.s32 $0xFFFFFFFF  }
0xb6: {  	_ =	strace $0x9000004E  }
0xb7: {  	_ =	sfence  }
0xb8: {  	s30 =	sld [smem:$0x0];
	_ =	sdelay $0x2  }
0xb9: {  	s31 =	sshll.u32 s1, $0xD;
	s1 =	sshrl.u32 s1, $0x2  }
0xba: {  	s3 =	sand.u32 $0x4000, s31;
	s1 =	sadd.s32 s1, s30  }
0xbb: {  	s0 =	sor.u32 s3, s0;
	s1 =	sshll.u32 s1, $0x11  }
0xbc: {  	s0 =	sor.u32 s1, s0  }
0xbd: {  	s0 =	sadd.s32 $0x8F2B, s0  }
0xbe: {  	[sflag:s0] =	ssyncadd.remote.s32 $0x1  }
0xbf: {  	_ =	sfence.sel $0xFFFF  }
0xc0: {  	[dreg:$0x0] =	wrdreg $0xFFFFFFFF;
	(pc) =	sbr.abs _section_cstart, $3  }
0xc1: {  	[dreg:$0x1] =	wrdreg $0xFFFFFFFF  }
0xc2: {  	_ =	task.clear_ibuf [dreg:s7], $0x2FFFF;
	_ =	strace $0x9FFFFFFF  }
0xc3: {  	(tm) =	ssettm $0x7FFFFFFF  }
tec
execute0_lowered:
.L_overlay_start_1:
0x0: {  	(tag) =	ssettag $0x1  }
0x1: {  	s1 =	rddreg [dreg:$0x0]  }
0x2: {  	s6 =	rddreg [dreg:$0x1]  }
0x3: {  	s0 =	srdreg.scid;
	s2 =	rddreg [dreg:$0x2];
	s4 =	simm.s32 $0x0  }
0x4: {  	s3 =	stileid.u32;
	s15 =	simm.s32 $0x14100;
	s16 =	simm.s32 $0x2  }
0x5: {  	s17 =	simm.s32 $0x14000;
	s18 =	simm.s32 $0x14080;
	s9 =	smul.u32 $0x14000, s3  }
0x6: {  	s19 =	simm.s32 $0x80;
	s20 =	simm.s32 $0x1;
	s10 =	smul.u32 $0x50000, s3  }
0x7: {  	s7 =	sand.u32 $0x1, s0;
	s0 =	rddreg [dreg:$0x3];
	s14 =	smul.u32 $0x4F0, s3  }
0x8: {  	s23 =	simm.s32 $0x0;
	[smem:$0x7FF] =	sst s4;
	s5 =	smul.u32 $0x4F00, s7  }
0x9: {  	s21 =	sshll.u32 s3, $0x6;
	s8 =	smul.u32 $0x140000, s7;
	_ =	strace $0x8000004D  }
0xa: {  	s7 =	ssub.s32 $0x2, s7;
	s21 =	sor.u32 $0x1C02, s21;
	s30 =	sshrl.u32 s10, $0x2  }
0xb: {  	s31 =	sshrl.u32 s7, $0x1;
	s13 =	sadd.s32 s5, s6;
	s8 =	sadd.s32 s9, s8  }
0xc: {  	s5 =	sadd.s32 $0x15E00, s6;
	s12 =	ssub.s32 s7, s31;
	s8 =	sshrl.u32 s8, $0x3  }
0xd: {  	s12 =	smax.u32 s12, $0x1;
	s14 =	sadd.s32 s14, s13;
	s11 =	sadd.s32 s8, s6  }
0xe: {  	s6 =	sadd.s32 s30, s2;
	s13 =	sadd.s32 $0x2200, s14;
	s14 =	sadd.s32 $0xC000, s14  }
0xf: {  	s7 =	sadd.s32 $0x4000, s6;
	s8 =	sadd.s32 $0x8000, s6;
	s9 =	sadd.s32 $0xC000, s6  }
0x10: {  	s10 =	sadd.s32 $0x10000, s6;
	s11 =	sadd.s32 $0x16600, s11;
	s22 =	sshrl.u32 s6, $0x3  }
.LBB2_1:
0x11: {  	[tilespmem:s15], [sflag:$0x2] =	stream.linear.gather [hbm4b:s5+s4], $0x4000, $0x38;
	[tilespmem:$0x18100] =	vst v63  }
0x12: {  	_ =	swait.ge [sflag:s16], $0x4000  }
0x13: {  	[sflag:s16] =	ssyncset.done $0x0  }
0x14: {  	[sflag:s16] =	ssyncadd.s32 $0xFFFFC000  }
0x15: {  	[spmem:s6] =	stream.linear.scatter [tilespmem:s15], [sflag:$0x2], $0x4000, $0x38;
	[tilespmem:$0x18100] =	vst v63  }
0x16: {  	_ =	swait.ge [sflag:s16], $0x4000  }
0x17: {  	[sflag:s16] =	ssyncset.done $0x0  }
0x18: {  	[sflag:s16] =	ssyncadd.s32 $0xFFFFC000  }
0x19: {  	[spmem:s7] =	stream.linear.scatter [tilespmem:s15], [sflag:$0x2], $0x4000, $0x38;
	[tilespmem:$0x18100] =	vst v63  }
0x1a: {  	_ =	swait.ge [sflag:s16], $0x4000  }
0x1b: {  	[sflag:s16] =	ssyncset.done $0x0  }
0x1c: {  	[sflag:s16] =	ssyncadd.s32 $0xFFFFC000  }
0x1d: {  	[spmem:s8] =	stream.linear.scatter [tilespmem:s15], [sflag:$0x2], $0x4000, $0x38;
	[tilespmem:$0x18100] =	vst v63  }
0x1e: {  	_ =	swait.ge [sflag:s16], $0x4000  }
0x1f: {  	[sflag:s16] =	ssyncset.done $0x0  }
0x20: {  	[sflag:s16] =	ssyncadd.s32 $0xFFFFC000  }
0x21: {  	[spmem:s9] =	stream.linear.scatter [tilespmem:s15], [sflag:$0x2], $0x4000, $0x38;
	[tilespmem:$0x18100] =	vst v63  }
0x22: {  	_ =	swait.ge [sflag:s16], $0x4000  }
0x23: {  	[sflag:s16] =	ssyncset.done $0x0  }
0x24: {  	[sflag:s16] =	ssyncadd.s32 $0xFFFFC000  }
0x25: {  	[spmem:s10] =	stream.linear.scatter [tilespmem:s15], [sflag:$0x2], $0x4000, $0x38;
	[tilespmem:$0x18100] =	vst v63  }
0x26: {  	_ =	swait.ge [sflag:s16], $0x4000  }
0x27: {  	[sflag:s16] =	ssyncset.done $0x0  }
0x28: {  	[sflag:s16] =	ssyncadd.s32 $0xFFFFC000  }
0x29: {  	s24 =	sadd.s32 $0x0, s14;
	[bflag:$0x0] =	sbarrier.arrive $0xFFFF  }
0x2a: {  	[tilespmem:s17], [sflag:$0x2] =	stream.linear.gather [hbm4b:s24+s4], $0x80, $0x38;
	[tilespmem:$0x18100] =	vst v63  }
0x2b: {  	_ =	swait.ge [sflag:s16], $0x80  }
0x2c: {  	[sflag:s16] =	ssyncset.done $0x0  }
0x2d: {  	s31 =	sadd.s32 $0x0, s13;
	[sflag:s16] =	ssyncadd.s32 $0xFFFFFF80  }
0x2e: {  	[tilespmem:s18], [sflag:$0x2] =	stream.linear.gather [hbm4b:s31+s4], $0x80, $0x38;
	[tilespmem:$0x18100] =	vst v63  }
0x2f: {  	_ =	swait.ge [sflag:s16], $0x80  }
0x30: {  	[sflag:s16] =	ssyncset.done $0x0  }
0x31: {  	[sflag:s16] =	ssyncadd.s32 $0xFFFFFF80  }
0x32: {  	[tilespmem:s15], [sflag:$0x1] =	stream.indirect.gather [hbm4b:s1+s19], $0x80, s17, s19, $0xb8;
	[tilespmem:$0x18100] =	vst v63  }
0x33: {  	_ =	swait.ge [sflag:s20], $0x4000  }
0x34: {  	[sflag:s20] =	ssyncset.done $0x0  }
0x35: {  	[sflag:s20] =	ssyncadd.s32 $0xFFFFC000  }
0x36: {  	[spmem:s2] =	stream.indirect.scatter.add.f32 [tilespmem:s15], [sflag:$0x2], $0x80, s18, s19, $0xb8;
	[tilespmem:$0x18100] =	vst v63  }
0x37: {  	_ =	swait.ge [sflag:s16], $0x4000  }
0x38: {  	s25 =	simm.s32 $0x20;
	s24 =	simm.s32 $0x10;
	[sflag:s16] =	ssyncset.done $0x0  }
.LBB2_2:
0x39: {  	s26 =	sadd.s32 s24, s14  }
0x3a: {  	[sflag:s16] =	ssyncadd.s32 $0xFFFFC000;
	s28 =	smov.u32 s25;
	s29 =	sadd.s32 $0x10, s25  }
0x3b: {  	[tilespmem:s17], [sflag:$0x2] =	stream.linear.gather [hbm4b:s26+s4], $0x80, $0x38;
	[tilespmem:$0x18100] =	vst v63  }
0x3c: {  	p0 =	sne.s32 s25, $0x4E0;
	_ =	swait.ge [sflag:s16], $0x80  }
0x3d: {  	[sflag:s16] =	ssyncset.done $0x0  }
0x3e: {  	s25 =	sadd.s32 s24, s13;
	s24 =	smov.u32 s28;
	[sflag:s16] =	ssyncadd.s32 $0xFFFFFF80  }
0x3f: {  	[tilespmem:s18], [sflag:$0x2] =	stream.linear.gather [hbm4b:s25+s4], $0x80, $0x38;
	[tilespmem:$0x18100] =	vst v63  }
0x40: {  	_ =	swait.ge [sflag:s16], $0x80  }
0x41: {  	[sflag:s16] =	ssyncset.done $0x0  }
0x42: {  	[sflag:s16] =	ssyncadd.s32 $0xFFFFFF80  }
0x43: {  	[tilespmem:s15], [sflag:$0x1] =	stream.indirect.gather [hbm4b:s1+s19], $0x80, s17, s19, $0xb8;
	[tilespmem:$0x18100] =	vst v63  }
0x44: {  	_ =	swait.ge [sflag:s20], $0x4000  }
.Ltmp0:
0x45: {  	[sflag:s20] =	ssyncset.done $0x0;
	(pc) =	sbr.rel @p0 .LBB2_2-.Ltmp0, $4  }
0x46: {  	[sflag:s20] =	ssyncadd.s32 $0xFFFFC000  }
0x47: {  	[spmem:s2] =	stream.indirect.scatter.add.f32 [tilespmem:s15], [sflag:$0x2], $0x80, s18, s19, $0xb8;
	[tilespmem:$0x18100] =	vst v63  }
0x48: {  	_ =	swait.ge [sflag:s16], $0x4000  }
0x49: {  	s25 =	smov.u32 s29;
	[sflag:s16] =	ssyncset.done $0x0  }
0x4a: {  	s25 =	sadd.s32 s24, s14;
	[sflag:s16] =	ssyncadd.s32 $0xFFFFC000  }
0x4b: {  	[tilespmem:s17], [sflag:$0x2] =	stream.linear.gather [hbm4b:s25+s4], $0x80, $0x38;
	[tilespmem:$0x18100] =	vst v63  }
0x4c: {  	_ =	swait.ge [sflag:s16], $0x80  }
0x4d: {  	[sflag:s16] =	ssyncset.done $0x0  }
0x4e: {  	s31 =	sadd.s32 s24, s13;
	[sflag:s16] =	ssyncadd.s32 $0xFFFFFF80  }
0x4f: {  	[tilespmem:s18], [sflag:$0x2] =	stream.linear.gather [hbm4b:s31+s4], $0x80, $0x38;
	[tilespmem:$0x18100] =	vst v63  }
0x50: {  	_ =	swait.ge [sflag:s16], $0x80  }
0x51: {  	[sflag:s16] =	ssyncset.done $0x0  }
0x52: {  	[sflag:s16] =	ssyncadd.s32 $0xFFFFFF80  }
0x53: {  	[tilespmem:s15], [sflag:$0x1] =	stream.indirect.gather [hbm4b:s1+s19], $0x80, s17, s19, $0xb8;
	[tilespmem:$0x18100] =	vst v63  }
0x54: {  	_ =	swait.ge [sflag:s20], $0x4000  }
0x55: {  	[sflag:s20] =	ssyncset.done $0x0  }
0x56: {  	[sflag:s20] =	ssyncadd.s32 $0xFFFFC000  }
0x57: {  	[spmem:s2] =	stream.indirect.scatter.add.f32 [tilespmem:s15], [sflag:$0x2], $0x80, s18, s19, $0xb8;
	[tilespmem:$0x18100] =	vst v63  }
0x58: {  	_ =	swait.ge [sflag:s16], $0x4000  }
0x59: {  	s23 =	sadd.s32 $0x1, s23;
	[sflag:s16] =	ssyncset.done $0x0  }
0x5a: {  	p0 =	sne.s32 s23, s12;
	[sflag:s16] =	ssyncadd.s32 $0xFFFFC000  }
.Ltmp1:
0x5b: {  	[bflag:$0x0] =	sbarrier.arrive $0xFFFF;
	(pc) =	sbr.rel @p0 .LBB2_1-.Ltmp1, $4  }
0x5c: {  	[hbm:s11], [sflag:s21] =	dma.local [spmem:s22], $0x2800  }
0x5d: {  	_ =	swait.ge [sflag:s16], $0x2800  }
0x5e: {  	[sflag:s16] =	ssyncset.done $0x0  }
0x5f: {  	[sflag:s16] =	ssyncadd.s32 $0xFFFFD800  }
0x60: {  	_ =	sfence.sel $0x180000  }
0x61: {  	[bflag:$0x0] =	sbarrier.arrive $0xFFFF  }
0x62: {  	p0 =	sne.s32 s3, $0x0;
	_ =	strace $0x9000004D  }
0x63: {  	s0 =	sadd.s32 @!p0 $0x100000, s0;
	[bflag:$0x2] =	sbarrier.arrive $0xFFFF  }
0x64: {  	[sflag:s0] =	ssyncadd.tile.s32 @!p0 $0x1;
	_ =	shalt  }
.Lfunc_end2:
_tile_overlayer_lowered:
.L_overlay_start_2:
0x65: {  	(tag) =	ssettag $0x2  }
0x66: {  	s0 =	rddreg [dreg:$0x0];
	s2 =	stileid.u32  }
0x67: {  	s1 =	rddreg [dreg:$0x1];
	p0 =	sne.s32 s2, $0x0  }
0x68: {  	s3 =	rddreg [dreg:$0x2];
	[bflag:$0x3] =	sbarrier.arrive $0xFFFF;
	s2 =	simm.s32 @!p0 $0x1C02  }
0x69: {  	[timem:s3], [sflag:s2] =	dma.local @!p0 [hbm:s0], s1  }
0x6a: {  	s0 =	simm.s32 @!p0 $0x2  }
0x6b: {  	_ =	swait.ge @!p0 [sflag:s0], s1  }
0x6c: {  	s1 =	ssub.s32 @!p0 $0x0, s1;
	[sflag:s0] =	ssyncset.done @!p0 $0x0  }
0x6d: {  	[sflag:s0] =	ssyncadd.s32 @!p0 s1  }
0x6e: {  	[bflag:$0x3] =	sbarrier.arrive $0xFFFF  }
0x6f: {  	_ =	shalt  }

// kernel: kernel.19.cloned.1.call-start
scs
__scs_entry_jumppad:
0x0: {  	(pc) =	sbr.rel $0x88, $3  }
0x1: {  	(tag) =	ssettag $0x0;
	lr =	simm.s32 $0x1  }
0x2: {  	[smem:$0x3F99] =	sst lr;
	_ =	strace $0xD0000000  }
0x3: {  	_ = 	snop  }
0x4: {  	_ = 	snop  }
0x5: {  	_ = 	snop  }
0x6: {  	_ = 	snop  }
0x7: {  	_ = 	snop  }
__scs_overlays_trampoline_lowered:
0x8: {  	[smem:$0x3FA8] =	sst s0  }
0x9: {  	[smem:$0x3FA9] =	sst s1  }
0xa: {  	[smem:$0x3FAA] =	sst s2  }
0xb: {  	[smem:$0x3FAB] =	sst s3  }
0xc: {  	[smem:$0x3FAC] =	sst s4  }
0xd: {  	[smem:$0x3FAD] =	sst s5  }
0xe: {  	[smem:$0x3FAE] =	sst s6  }
0xf: {  	[smem:$0x3FAF] =	sst s7  }
0x10: {  	[smem:$0x3FB0] =	sst s8  }
0x11: {  	[smem:$0x3FB1] =	sst s9;
	s0 =	simm.s32 @!p0 $0x0  }
0x12: {  	s1 =	sld [smem:$0x3F97];
	s0 =	simm.s32 @p0 $0x1  }
0x13: {  	[smem:$0x3FB2] =	sst s0;
	s0 =	simm.s32 @!p1 $0x0  }
0x14: {  	s2 =	sld [smem:$0x3F96];
	s0 =	simm.s32 @p1 $0x1  }
0x15: {  	[smem:$0x3FB3] =	sst s0;
	s0 =	simm.s32 @!p2 $0x0  }
0x16: {  	s3 =	sld [smem:$0x3FDB];
	s0 =	simm.s32 @p2 $0x1  }
0x17: {  	s4 =	simm.s32 $0x1BF5;
	[smem:$0x3FB5] =	sst s0  }
0x18: {  	s0 =	sld [smem:$0x3F98];
	_ =	swait.ge [sflag:s4], $0x0  }
0x19: {  	s7 =	sld [smem:$0x3F99]  }
0x1a: {  	s8 =	sadd.s32 $0xFFFFE003, lr  }
0x1b: {  	s9 =	sadd.s32 $0xFFFFFEF7, lr;
	s5 =	simm.s32 $0xFFFFFFFF;
	p2 =	slt.u32 s8, $0xFFFFF086  }
0x1c: {  	p1 =	slt.u32 s9, $0xF7A;
	s5 =	simm.s32 @!p2 $0x0  }
0x1d: {  	s5 =	simm.s32 @p1 $0x1;
	p0 =	seq.s32 s7, s2  }
0x1e: {  	s7 =	smul.u32 @!p0 $0xF7A, s2;
	p2 =	seq.s32 @!p0 s5, $0x0  }
0x1f: {  	s9 =	smul.u32 $0xF7A, s1;
	s8 =	simm.s32 @!p0 $0x1BF5;
	p2 =	por !p2, p0  }
0x20: {  	[sflag:s8] =	ssyncset.s32 @!p0 $0xFFFFF086;
	s6 =	sadd.s32 @!p0 s3, s7;
	s7 =	simm.s32 @!p0 $0x108  }
0x21: {  	s3 =	sadd.s32 s3, s9;
	s6 =	sadd.s32 @!p0 $0x88, s6;
	s7 =	simm.s32 @p2 $0x1082  }
0x22: {  	[simem:s7], [sflag:s8] =	dma.local @!p0 [hbm:s6], $0xF7A  }
0x23: {  	s9 =	sor.u32 $0xD0000000, s2;
	s6 =	simm.s32 $0x108;
	_ =	swait.ge @!p0 [sflag:s8], $0x0  }
0x24: {  	s3 =	sadd.s32 $0x88, s3;
	s6 =	simm.s32 @!p1 $0x1082;
	[sflag:s4] =	ssyncset.s32 $0xFFFFF086  }
0x25: {  	[simem:s6], [sflag:s4] =	dma.local [hbm:s3], $0xF7A  }
0x26: {  	[smem:$0x3F99] =	sst s1;
	(tag) =	ssettag s2;
	_ =	strace s9  }
0x27: {  	s1 =	sld [smem:$0x3FA9]  }
0x28: {  	s2 =	sld [smem:$0x3FAA]  }
0x29: {  	s4 =	sld [smem:$0x3FAC]  }
0x2a: {  	p0 =	seq.s32 s5, $0x0;
	s5 =	sld [smem:$0x3FAD]  }
0x2b: {  	s6 =	sld [smem:$0x3FAE]  }
0x2c: {  	s7 =	sld [smem:$0x3FAF]  }
0x2d: {  	s3 =	simm.s32 $0x108;
	s8 =	sld [smem:$0x3FB0]  }
0x2e: {  	s3 =	simm.s32 @!p0 $0x1082;
	s9 =	sld [smem:$0x3FB1]  }
0x2f: {  	lr =	sadd.s32 s0, s3;
	s0 =	sld [smem:$0x3FA8]  }
0x30: {  	s3 =	sld [smem:$0x3FAB]  }
0x31: {  	[smem:$0x3FB4] =	sst s10  }
0x32: {  	s10 =	sld [smem:$0x3FB2];
	_ =	sdelay $0x3  }
0x33: {  	p0 =	seq.s32 s10, $0x1;
	s10 =	sld [smem:$0x3FB4];
	_ =	sdelay $0x3  }
0x34: {  	[smem:$0x3FB4] =	sst s10  }
0x35: {  	s10 =	sld [smem:$0x3FB3];
	_ =	sdelay $0x3  }
0x36: {  	p1 =	seq.s32 s10, $0x1;
	s10 =	sld [smem:$0x3FB4];
	_ =	sdelay $0x3  }
0x37: {  	[smem:$0x3FB4] =	sst s10  }
0x38: {  	s10 =	sld [smem:$0x3FB5]  }
0x39: {  	_ = 	snop;
	(pc) =	sbr.ind lr, $3  }
0x3a: {  	_ = 	snop  }
0x3b: {  	_ = 	snop  }
0x3c: {  	p2 =	seq.s32 s10, $0x1;
	s10 =	sld [smem:$0x3FB4]  }
0x3d: {  	_ =	shalt  }
0x3e: {  	_ =	shalt  }
0x3f: {  	_ =	shalt  }
0x40: {  	_ =	shalt  }
0x41: {  	_ =	shalt  }
0x42: {  	_ =	shalt  }
0x43: {  	_ =	shalt  }
0x44: {  	_ =	shalt  }
0x45: {  	_ =	shalt  }
0x46: {  	_ =	shalt  }
0x47: {  	_ =	shalt  }
0x48: {  	_ =	shalt  }
0x49: {  	_ =	shalt  }
0x4a: {  	_ =	shalt  }
0x4b: {  	_ =	shalt  }
0x4c: {  	_ =	shalt  }
0x4d: {  	_ =	shalt  }
0x4e: {  	_ =	shalt  }
0x4f: {  	_ =	shalt  }
0x50: {  	_ =	shalt  }
0x51: {  	_ =	shalt  }
0x52: {  	_ =	shalt  }
0x53: {  	_ =	shalt  }
0x54: {  	_ =	shalt  }
0x55: {  	_ =	shalt  }
0x56: {  	_ =	shalt  }
0x57: {  	_ =	shalt  }
0x58: {  	_ =	shalt  }
0x59: {  	_ =	shalt  }
0x5a: {  	_ =	shalt  }
0x5b: {  	_ =	shalt  }
0x5c: {  	_ =	shalt  }
0x5d: {  	_ =	shalt  }
0x5e: {  	_ =	shalt  }
0x5f: {  	_ =	shalt  }
0x60: {  	_ =	shalt  }
0x61: {  	_ =	shalt  }
0x62: {  	_ =	shalt  }
0x63: {  	_ =	shalt  }
0x64: {  	_ =	shalt  }
0x65: {  	_ =	shalt  }
0x66: {  	_ =	shalt  }
0x67: {  	_ =	shalt  }
0x68: {  	_ =	shalt  }
0x69: {  	_ =	shalt  }
0x6a: {  	_ =	shalt  }
0x6b: {  	_ =	shalt  }
0x6c: {  	_ =	shalt  }
0x6d: {  	_ =	shalt  }
0x6e: {  	_ =	shalt  }
0x6f: {  	_ =	shalt  }
0x70: {  	_ =	shalt  }
0x71: {  	_ =	shalt  }
0x72: {  	_ =	shalt  }
0x73: {  	_ =	shalt  }
0x74: {  	_ =	shalt  }
0x75: {  	_ =	shalt  }
0x76: {  	_ =	shalt  }
0x77: {  	_ =	shalt  }
0x78: {  	_ =	shalt  }
0x79: {  	_ =	shalt  }
0x7a: {  	_ =	shalt  }
0x7b: {  	_ =	shalt  }
0x7c: {  	_ =	shalt  }
0x7d: {  	_ =	shalt  }
0x7e: {  	_ =	shalt  }
0x7f: {  	_ =	shalt  }
0x80: {  	_ =	shalt  }
0x81: {  	_ =	shalt  }
0x82: {  	_ =	shalt  }
0x83: {  	_ =	shalt  }
0x84: {  	_ =	shalt  }
0x85: {  	_ =	shalt  }
0x86: {  	_ =	shalt  }
0x87: {  	_ =	shalt  }
.Lfunc_end0:
.L_simem_size_0:
called_computation.3_lowered:
.L_overlay_start_0:
0x88: {  	s2 =	sld [smem:$0x3FD9]  }
0x89: {  	s3 =	sld [smem:$0x3FFE];
	_ =	sdelay $0x1  }
0x8a: {  	s1 =	srdreg.scid  }
0x8b: {  	s0 =	sand.u32 $0x1, s1  }
0x8c: {  	s17 =	sshll.u32 s0, $0xA;
	s2 =	sadd.s32 s3, s2  }
0x8d: {  	s2 =	sadd.s32 s2, s17  }
0x8e: {  	[smem:$0x3FC0] =	sst s2  }
0x8f: {  	_ = 	snop  }
0x90: {  	s2 =	sld [smem:$0x3FD0];
	(tm) =	ssettm $0x1  }
0x91: {  	s18 =	sld [smem:$0x3FFB];
	_ =	sdelay $0x3  }
0x92: {  	_ =	strace s18  }
0x93: {  	s3 =	sld [smem:$0x3FFC];
	_ =	sdelay $0x3  }
0x94: {  	_ =	strace s3  }
0x95: {  	s3 =	sld [smem:$0x3FFD];
	_ =	sdelay $0x3  }
0x96: {  	_ =	strace s3  }
0x97: {  	_ =	strace $0x8FFFFFFF  }
0x98: {  	s19 =	sld [smem:$0x3FDB];
	_ =	sdelay $0x1  }
0x99: {  	s4 =	simm.s32 $_scs_section_size  }
0x9a: {  	s5 =	simm.s32 $_size__tile_overlayer_lowered;
	s6 =	simm.s32 $_tile_overlayer_lowered  }
0x9b: {  	s22 =	simm.s32 $0x1BFF;
	s21 =	sshll.u32 s6, $0x1;
	s3 =	sadd.s32 s4, s19  }
0x9c: {  	s7 =	simm.s32 $0x0;
	s20 =	sshll.u32 s5, $0x1;
	s5 =	sadd.s32 s21, s3  }
0x9d: {  	[timem:s7], [sflag:s22] =	dma.local [hbm:s5], s20  }
0x9e: {  	_ =	swait.ge [sflag:s22], s20  }
0x9f: {  	s4 =	ssub.s32 $0x0, s20;
	[sflag:s22] =	ssyncset.done $0x0  }
0xa0: {  	[sflag:s22] =	ssyncadd.s32 s4;
	_ =	sdelay $0x1  }
0xa1: {  	s23 =	simm.s32 $0x1B8B  }
0xa2: {  	_ =	swait.ge [sflag:s23], $0x1  }
0xa3: {  	[sflag:s23] =	ssyncset.done $0x0  }
0xa4: {  	s25 =	simm.s32 $0x1B8E;
	s24 =	sld [smem:$0x3FFE];
	[sflag:s23] =	ssyncadd.s32 $0xFFFFFFFF  }
0xa5: {  	s26 =	simm.s32 $execute0_lowered;
	[smem:$0x3FD2] =	sst s25  }
0xa6: {  	s5 =	sshll.u32 s26, $0x1;
	_ =	strace $0x8000004F;
	[dreg:$0x1] =	wrdreg $0xFFFFFFFF  }
0xa7: {  	s28 =	simm.s32 $_size_execute0_lowered;
	s3 =	sadd.s32 s3, s5;
	[dreg:$0x0] =	wrdreg $0x0  }
0xa8: {  	s5 =	sshll.u32 s28, $0x1;
	[dreg:$0x2] =	wrdreg s3  }
0xa9: {  	[dreg:$0x3] =	wrdreg s5  }
0xaa: {  	[dreg:$0x4] =	wrdreg $0xC0  }
0xab: {  	_ =	task [dreg:s7], $0x5FFFF  }
0xac: {  	[dreg:$0x1] =	wrdreg $0xFFFFFFFF  }
0xad: {  	[dreg:$0x0] =	wrdreg $0x60  }
0xae: {  	[dreg:$0x2] =	wrdreg s2  }
0xaf: {  	[dreg:$0x3] =	wrdreg s24  }
0xb0: {  	[dreg:$0x4] =	wrdreg $0x0  }
0xb1: {  	[dreg:$0x5] =	wrdreg $0x9  }
0xb2: {  	_ =	task.clear_ibuf [dreg:s7], $0x6FFFF;
	_ =	strace $0x9000004F  }
0xb3: {  	s29 =	simm.s32 $0x9;
	_ =	strace $0x80000051  }
0xb4: {  	_ =	swait.ge [sflag:s29], $0x1  }
0xb5: {  	[sflag:s29] =	ssyncadd.s32 $0xFFFFFFFF  }
0xb6: {  	_ =	strace $0x90000051  }
0xb7: {  	_ =	sfence  }
0xb8: {  	s30 =	sld [smem:$0x0];
	_ =	sdelay $0x2  }
0xb9: {  	s31 =	sshll.u32 s1, $0xD;
	s1 =	sshrl.u32 s1, $0x2  }
0xba: {  	s3 =	sand.u32 $0x4000, s31;
	s1 =	sadd.s32 s1, s30  }
0xbb: {  	s0 =	sor.u32 s3, s0;
	s1 =	sshll.u32 s1, $0x11  }
0xbc: {  	s0 =	sor.u32 s1, s0  }
0xbd: {  	s0 =	sadd.s32 $0x8F2B, s0  }
0xbe: {  	[sflag:s0] =	ssyncadd.remote.s32 $0x1  }
0xbf: {  	_ =	sfence.sel $0xFFFF  }
0xc0: {  	[dreg:$0x0] =	wrdreg $0xFFFFFFFF;
	(pc) =	sbr.abs _section_cstart, $3  }
0xc1: {  	[dreg:$0x1] =	wrdreg $0xFFFFFFFF  }
0xc2: {  	_ =	task.clear_ibuf [dreg:s7], $0x2FFFF;
	_ =	strace $0x9FFFFFFF  }
0xc3: {  	(tm) =	ssettm $0x7FFFFFFF  }
tec
execute0_lowered:
.L_overlay_start_1:
0x0: {  	(tag) =	ssettag $0x1  }
0x1: {  	s1 =	rddreg [dreg:$0x0]  }
0x2: {  	s6 =	rddreg [dreg:$0x1]  }
0x3: {  	s0 =	srdreg.scid;
	s2 =	rddreg [dreg:$0x2];
	s4 =	simm.s32 $0x0  }
0x4: {  	s3 =	stileid.u32;
	s15 =	simm.s32 $0x14100;
	s16 =	simm.s32 $0x2  }
0x5: {  	s17 =	simm.s32 $0x14000;
	s18 =	simm.s32 $0x14080;
	s9 =	smul.u32 $0x14000, s3  }
0x6: {  	s19 =	simm.s32 $0x80;
	s20 =	simm.s32 $0x1;
	s10 =	smul.u32 $0x50000, s3  }
0x7: {  	s7 =	sand.u32 $0x1, s0;
	s0 =	rddreg [dreg:$0x3];
	s14 =	smul.u32 $0x4F0, s3  }
0x8: {  	s23 =	simm.s32 $0x0;
	[smem:$0x7FF] =	sst s4;
	s5 =	smul.u32 $0x4F00, s7  }
0x9: {  	s21 =	sshll.u32 s3, $0x6;
	s8 =	smul.u32 $0x140000, s7;
	_ =	strace $0x80000050  }
0xa: {  	s7 =	ssub.s32 $0x2, s7;
	s21 =	sor.u32 $0x1C02, s21;
	s30 =	sshrl.u32 s10, $0x2  }
0xb: {  	s31 =	sshrl.u32 s7, $0x1;
	s13 =	sadd.s32 s5, s6;
	s8 =	sadd.s32 s9, s8  }
0xc: {  	s5 =	sadd.s32 $0x15E00, s6;
	s12 =	ssub.s32 s7, s31;
	s8 =	sshrl.u32 s8, $0x3  }
0xd: {  	s12 =	smax.u32 s12, $0x1;
	s14 =	sadd.s32 s14, s13;
	s11 =	sadd.s32 s8, s6  }
0xe: {  	s6 =	sadd.s32 s30, s2;
	s13 =	sadd.s32 $0x2200, s14;
	s14 =	sadd.s32 $0xC000, s14  }
0xf: {  	s7 =	sadd.s32 $0x4000, s6;
	s8 =	sadd.s32 $0x8000, s6;
	s9 =	sadd.s32 $0xC000, s6  }
0x10: {  	s10 =	sadd.s32 $0x10000, s6;
	s11 =	sadd.s32 $0x16600, s11;
	s22 =	sshrl.u32 s6, $0x3  }
.LBB2_1:
0x11: {  	[tilespmem:s15], [sflag:$0x2] =	stream.linear.gather [hbm4b:s5+s4], $0x4000, $0x38;
	[tilespmem:$0x18100] =	vst v63  }
0x12: {  	_ =	swait.ge [sflag:s16], $0x4000  }
0x13: {  	[sflag:s16] =	ssyncset.done $0x0  }
0x14: {  	[sflag:s16] =	ssyncadd.s32 $0xFFFFC000  }
0x15: {  	[spmem:s6] =	stream.linear.scatter [tilespmem:s15], [sflag:$0x2], $0x4000, $0x38;
	[tilespmem:$0x18100] =	vst v63  }
0x16: {  	_ =	swait.ge [sflag:s16], $0x4000  }
0x17: {  	[sflag:s16] =	ssyncset.done $0x0  }
0x18: {  	[sflag:s16] =	ssyncadd.s32 $0xFFFFC000  }
0x19: {  	[spmem:s7] =	stream.linear.scatter [tilespmem:s15], [sflag:$0x2], $0x4000, $0x38;
	[tilespmem:$0x18100] =	vst v63  }
0x1a: {  	_ =	swait.ge [sflag:s16], $0x4000  }
0x1b: {  	[sflag:s16] =	ssyncset.done $0x0  }
0x1c: {  	[sflag:s16] =	ssyncadd.s32 $0xFFFFC000  }
0x1d: {  	[spmem:s8] =	stream.linear.scatter [tilespmem:s15], [sflag:$0x2], $0x4000, $0x38;
	[tilespmem:$0x18100] =	vst v63  }
0x1e: {  	_ =	swait.ge [sflag:s16], $0x4000  }
0x1f: {  	[sflag:s16] =	ssyncset.done $0x0  }
0x20: {  	[sflag:s16] =	ssyncadd.s32 $0xFFFFC000  }
0x21: {  	[spmem:s9] =	stream.linear.scatter [tilespmem:s15], [sflag:$0x2], $0x4000, $0x38;
	[tilespmem:$0x18100] =	vst v63  }
0x22: {  	_ =	swait.ge [sflag:s16], $0x4000  }
0x23: {  	[sflag:s16] =	ssyncset.done $0x0  }
0x24: {  	[sflag:s16] =	ssyncadd.s32 $0xFFFFC000  }
0x25: {  	[spmem:s10] =	stream.linear.scatter [tilespmem:s15], [sflag:$0x2], $0x4000, $0x38;
	[tilespmem:$0x18100] =	vst v63  }
0x26: {  	_ =	swait.ge [sflag:s16], $0x4000  }
0x27: {  	[sflag:s16] =	ssyncset.done $0x0  }
0x28: {  	[sflag:s16] =	ssyncadd.s32 $0xFFFFC000  }
0x29: {  	s24 =	sadd.s32 $0x0, s14;
	[bflag:$0x0] =	sbarrier.arrive $0xFFFF  }
0x2a: {  	[tilespmem:s17], [sflag:$0x2] =	stream.linear.gather [hbm4b:s24+s4], $0x80, $0x38;
	[tilespmem:$0x18100] =	vst v63  }
0x2b: {  	_ =	swait.ge [sflag:s16], $0x80  }
0x2c: {  	[sflag:s16] =	ssyncset.done $0x0  }
0x2d: {  	s31 =	sadd.s32 $0x0, s13;
	[sflag:s16] =	ssyncadd.s32 $0xFFFFFF80  }
0x2e: {  	[tilespmem:s18], [sflag:$0x2] =	stream.linear.gather [hbm4b:s31+s4], $0x80, $0x38;
	[tilespmem:$0x18100] =	vst v63  }
0x2f: {  	_ =	swait.ge [sflag:s16], $0x80  }
0x30: {  	[sflag:s16] =	ssyncset.done $0x0  }
0x31: {  	[sflag:s16] =	ssyncadd.s32 $0xFFFFFF80  }
0x32: {  	[tilespmem:s15], [sflag:$0x1] =	stream.indirect.gather [hbm4b:s1+s19], $0x80, s17, s19, $0xb8;
	[tilespmem:$0x18100] =	vst v63  }
0x33: {  	_ =	swait.ge [sflag:s20], $0x4000  }
0x34: {  	[sflag:s20] =	ssyncset.done $0x0  }
0x35: {  	[sflag:s20] =	ssyncadd.s32 $0xFFFFC000  }
0x36: {  	[spmem:s2] =	stream.indirect.scatter.add.f32 [tilespmem:s15], [sflag:$0x2], $0x80, s18, s19, $0xb8;
	[tilespmem:$0x18100] =	vst v63  }
0x37: {  	_ =	swait.ge [sflag:s16], $0x4000  }
0x38: {  	s25 =	simm.s32 $0x20;
	s24 =	simm.s32 $0x10;
	[sflag:s16] =	ssyncset.done $0x0  }
.LBB2_2:
0x39: {  	s26 =	sadd.s32 s24, s14  }
0x3a: {  	[sflag:s16] =	ssyncadd.s32 $0xFFFFC000;
	s28 =	smov.u32 s25;
	s29 =	sadd.s32 $0x10, s25  }
0x3b: {  	[tilespmem:s17], [sflag:$0x2] =	stream.linear.gather [hbm4b:s26+s4], $0x80, $0x38;
	[tilespmem:$0x18100] =	vst v63  }
0x3c: {  	p0 =	sne.s32 s25, $0x4E0;
	_ =	swait.ge [sflag:s16], $0x80  }
0x3d: {  	[sflag:s16] =	ssyncset.done $0x0  }
0x3e: {  	s25 =	sadd.s32 s24, s13;
	s24 =	smov.u32 s28;
	[sflag:s16] =	ssyncadd.s32 $0xFFFFFF80  }
0x3f: {  	[tilespmem:s18], [sflag:$0x2] =	stream.linear.gather [hbm4b:s25+s4], $0x80, $0x38;
	[tilespmem:$0x18100] =	vst v63  }
0x40: {  	_ =	swait.ge [sflag:s16], $0x80  }
0x41: {  	[sflag:s16] =	ssyncset.done $0x0  }
0x42: {  	[sflag:s16] =	ssyncadd.s32 $0xFFFFFF80  }
0x43: {  	[tilespmem:s15], [sflag:$0x1] =	stream.indirect.gather [hbm4b:s1+s19], $0x80, s17, s19, $0xb8;
	[tilespmem:$0x18100] =	vst v63  }
0x44: {  	_ =	swait.ge [sflag:s20], $0x4000  }
.Ltmp0:
0x45: {  	[sflag:s20] =	ssyncset.done $0x0;
	(pc) =	sbr.rel @p0 .LBB2_2-.Ltmp0, $4  }
0x46: {  	[sflag:s20] =	ssyncadd.s32 $0xFFFFC000  }
0x47: {  	[spmem:s2] =	stream.indirect.scatter.add.f32 [tilespmem:s15], [sflag:$0x2], $0x80, s18, s19, $0xb8;
	[tilespmem:$0x18100] =	vst v63  }
0x48: {  	_ =	swait.ge [sflag:s16], $0x4000  }
0x49: {  	s25 =	smov.u32 s29;
	[sflag:s16] =	ssyncset.done $0x0  }
0x4a: {  	s25 =	sadd.s32 s24, s14;
	[sflag:s16] =	ssyncadd.s32 $0xFFFFC000  }
0x4b: {  	[tilespmem:s17], [sflag:$0x2] =	stream.linear.gather [hbm4b:s25+s4], $0x80, $0x38;
	[tilespmem:$0x18100] =	vst v63  }
0x4c: {  	_ =	swait.ge [sflag:s16], $0x80  }
0x4d: {  	[sflag:s16] =	ssyncset.done $0x0  }
0x4e: {  	s31 =	sadd.s32 s24, s13;
	[sflag:s16] =	ssyncadd.s32 $0xFFFFFF80  }
0x4f: {  	[tilespmem:s18], [sflag:$0x2] =	stream.linear.gather [hbm4b:s31+s4], $0x80, $0x38;
	[tilespmem:$0x18100] =	vst v63  }
0x50: {  	_ =	swait.ge [sflag:s16], $0x80  }
0x51: {  	[sflag:s16] =	ssyncset.done $0x0  }
0x52: {  	[sflag:s16] =	ssyncadd.s32 $0xFFFFFF80  }
0x53: {  	[tilespmem:s15], [sflag:$0x1] =	stream.indirect.gather [hbm4b:s1+s19], $0x80, s17, s19, $0xb8;
	[tilespmem:$0x18100] =	vst v63  }
0x54: {  	_ =	swait.ge [sflag:s20], $0x4000  }
0x55: {  	[sflag:s20] =	ssyncset.done $0x0  }
0x56: {  	[sflag:s20] =	ssyncadd.s32 $0xFFFFC000  }
0x57: {  	[spmem:s2] =	stream.indirect.scatter.add.f32 [tilespmem:s15], [sflag:$0x2], $0x80, s18, s19, $0xb8;
	[tilespmem:$0x18100] =	vst v63  }
0x58: {  	_ =	swait.ge [sflag:s16], $0x4000  }
0x59: {  	s23 =	sadd.s32 $0x1, s23;
	[sflag:s16] =	ssyncset.done $0x0  }
0x5a: {  	p0 =	sne.s32 s23, s12;
	[sflag:s16] =	ssyncadd.s32 $0xFFFFC000  }
.Ltmp1:
0x5b: {  	[bflag:$0x0] =	sbarrier.arrive $0xFFFF;
	(pc) =	sbr.rel @p0 .LBB2_1-.Ltmp1, $4  }
0x5c: {  	[hbm:s11], [sflag:s21] =	dma.local [spmem:s22], $0x2800  }
0x5d: {  	_ =	swait.ge [sflag:s16], $0x2800  }
0x5e: {  	[sflag:s16] =	ssyncset.done $0x0  }
0x5f: {  	[sflag:s16] =	ssyncadd.s32 $0xFFFFD800  }
0x60: {  	_ =	sfence.sel $0x180000  }
0x61: {  	[bflag:$0x0] =	sbarrier.arrive $0xFFFF  }
0x62: {  	p0 =	sne.s32 s3, $0x0;
	_ =	strace $0x90000050  }
0x63: {  	s0 =	sadd.s32 @!p0 $0x100000, s0;
	[bflag:$0x2] =	sbarrier.arrive $0xFFFF  }
0x64: {  	[sflag:s0] =	ssyncadd.tile.s32 @!p0 $0x1;
	_ =	shalt  }
.Lfunc_end2:
_tile_overlayer_lowered:
.L_overlay_start_2:
0x65: {  	(tag) =	ssettag $0x2  }
0x66: {  	s0 =	rddreg [dreg:$0x0];
	s2 =	stileid.u32  }
0x67: {  	s1 =	rddreg [dreg:$0x1];
	p0 =	sne.s32 s2, $0x0  }
0x68: {  	s3 =	rddreg [dreg:$0x2];
	[bflag:$0x3] =	sbarrier.arrive $0xFFFF;
	s2 =	simm.s32 @!p0 $0x1C02  }
0x69: {  	[timem:s3], [sflag:s2] =	dma.local @!p0 [hbm:s0], s1  }
0x6a: {  	s0 =	simm.s32 @!p0 $0x2  }
0x6b: {  	_ =	swait.ge @!p0 [sflag:s0], s1  }
0x6c: {  	s1 =	ssub.s32 @!p0 $0x0, s1;
	[sflag:s0] =	ssyncset.done @!p0 $0x0  }
0x6d: {  	[sflag:s0] =	ssyncadd.s32 @!p0 s1  }
0x6e: {  	[bflag:$0x3] =	sbarrier.arrive $0xFFFF  }
0x6f: {  	_ =	shalt  }

</sc_bundles>
